<compile_context>
chip_gen: v7x
topology: tpu7x:2x2x1
jax: 0.10.2.dev20260603
libtpu: 0.0.44.dev20260713+nightly
codegen_flags: <defaults>
</compile_context>

<pallas_src>
import functools

import jax
import jax.numpy as jnp
import numpy as np
from jax import lax
from jax.experimental import pallas as pl
from jax.experimental.pallas import tpu as pltpu
from jax.experimental.pallas import tpu_sc as plsc

N = 8192
C = 8
H = 256
NHID = 6
B = 512
NB = N // B + C
NP = NB * B
LCH = 4
NPEW = 128

_NC = 2
_NS = 16
_NW = _NC * _NS
_PW = N // _NW
_IC = _PW // 128


def _dgt(w, a):
    return lax.dot_general(w, a, (((0,), (0,)), ((), ())),
                           preferred_element_type=jnp.float32)


def _pe_t(v, degree):
    s = jnp.sin((2.0 * np.pi) * v)
    c = jnp.cos((2.0 * np.pi) * v)
    outs = [v, s, c]
    for _ in range(degree - 1):
        s, c = 2.0 * s * c, 1.0 - 2.0 * s * s
        outs.append(s)
        outs.append(c)
    return outs


def _mlp_t(h, w_in, b_in, w_h_ref, b_h_ref, w_out, b_out,
           pre=lambda a, b: a[b]):
    h = jax.nn.relu(_dgt(w_in, h) + b_in[:, None])
    for i in range(NHID):
        h = jax.nn.relu(_dgt(pre(w_h_ref, i), h) + pre(b_h_ref, i)[:, None])
    return _dgt(w_out, h) + b_out[:, None]



def _router_body(xt_ref, proc_ref, wi_ref, bi_ref, wh_ref, bh_ref, wo_ref,
                 bo_ref, probst_ref, ps_ref, eid_ref):
    nn = N // LCH
    proc = jnp.broadcast_to(jnp.transpose(proc_ref[...]), (2, nn))
    wi = wi_ref[...]
    bi = bi_ref[...]
    wo = wo_ref[...]
    bo = bo_ref[...]
    for ch in range(LCH):
        sl = pl.ds(ch * nn, nn)
        xc = xt_ref[:, sl]
        pe1 = _pe_t(xc, 1)
        hc = jnp.concatenate(pe1 + [proc], axis=0)
        logits = _mlp_t(hc, wi, bi, wh_ref, bh_ref, wo, bo)
        m = jnp.max(logits, axis=0, keepdims=True)
        e = jnp.exp(logits - m)
        probst_ref[:, sl] = e / jnp.sum(e, axis=0, keepdims=True)
    p = probst_ref[...]
    pm = jnp.max(p, axis=0, keepdims=True)
    row = lax.broadcasted_iota(jnp.int32, (C, N), 0)
    idx = jnp.min(jnp.where(p == pm, row, C), axis=0, keepdims=True)
    onehot = (row == idx).astype(jnp.int32)
    cs = onehot
    s = 1
    while s < N:
        shifted = jnp.concatenate(
            [jnp.zeros((C, s), jnp.int32), cs[:, :N - s]], axis=1)
        cs = cs + shifted
        s *= 2
    rank = jnp.sum(cs * onehot, axis=0, keepdims=True) - 1
    counts = cs[:, N - 1:N]
    pg = ((counts + (B - 1)) // B) * B
    poff_incl = pg
    s = 1
    while s < C:
        poff_incl = poff_incl + jnp.concatenate(
            [jnp.zeros((s, 1), jnp.int32), poff_incl[:C - s, :]], axis=0)
        s *= 2
    poff_excl = poff_incl - pg
    ps_ref[...] = jnp.sum(onehot * poff_excl, axis=0, keepdims=True) + rank
    bstart = lax.broadcasted_iota(jnp.int32, (C, NB), 1) * B
    ge = (bstart >= poff_incl).astype(jnp.int32)
    eid_ref[...] = jnp.minimum(jnp.sum(ge, axis=0), C - 1)


def _router_call(xt, proc, wi, bi, wh, bh, wo, bo):
    return pl.pallas_call(
        _router_body,
        out_shape=(jax.ShapeDtypeStruct((C, N), jnp.float32),
                   jax.ShapeDtypeStruct((1, N), jnp.int32),
                   jax.ShapeDtypeStruct((NB,), jnp.int32)),
    )(xt, proc, wi, bi, wh, bh, wo, bo)



@functools.lru_cache(maxsize=None)
def _sc_kernels():
    mesh = plsc.VectorSubcoreMesh(core_axis_name="c", subcore_axis_name="s")
    scratch = [
        pltpu.VMEM((_IC, 128), jnp.int32),
        pltpu.VMEM((_PW, NPEW), jnp.float32),
        pltpu.SemaphoreType.DMA,
    ]

    @functools.partial(
        pl.kernel,
        out_type=jax.ShapeDtypeStruct((NP, NPEW), jnp.float32),
        mesh=mesh, scratch_types=scratch)
    def sc_scatter(x16_hbm, ps2_hbm, out_hbm, idx_v, rows_v, sem):
        wid = lax.axis_index("s") * _NC + lax.axis_index("c")
        base = wid * _PW
        pltpu.sync_copy(ps2_hbm.at[pl.ds(wid * _IC, _IC)], idx_v)
        pltpu.sync_copy(x16_hbm.at[pl.ds(base, _PW)], rows_v)
        for cidx in range(_IC):
            pltpu.async_copy(rows_v.at[pl.ds(cidx * 128, 128)],
                             out_hbm.at[idx_v.at[cidx]], sem).wait()

    @functools.partial(
        pl.kernel,
        out_type=jax.ShapeDtypeStruct((N, NPEW), jnp.float32),
        mesh=mesh, scratch_types=scratch)
    def sc_gather(ys_hbm, ps2_hbm, out_hbm, idx_v, rows_v, sem):
        wid = lax.axis_index("s") * _NC + lax.axis_index("c")
        base = wid * _PW
        pltpu.sync_copy(ps2_hbm.at[pl.ds(wid * _IC, _IC)], idx_v)
        for cidx in range(_IC):
            pltpu.async_copy(ys_hbm.at[idx_v.at[cidx]],
                             rows_v.at[pl.ds(cidx * 128, 128)], sem).wait()
        pltpu.sync_copy(rows_v, out_hbm.at[pl.ds(base, _PW)])

    return sc_scatter, sc_gather


def _sc_scatter_call(x16, ps2):
    return _sc_kernels()[0](x16, ps2)


def _sc_gather_call(ys, ps2):
    return _sc_kernels()[1](ys, ps2)



def _expert_body(eid_ref, xs_ref, proc_ref, twi, tbi, twh, tbh, two, tbo,
                 swi, sbi, swh, sbh, swo, sbo, out_ref):
    del eid_ref
    xbt = jnp.transpose(xs_ref[...][:, 0:3])
    proc = jnp.broadcast_to(jnp.transpose(proc_ref[...]), (2, B))
    ht = jnp.concatenate(_pe_t(xbt, 4) + [proc], axis=0)
    pre3 = lambda r, i: r[0, i]
    uvt = jax.nn.sigmoid(_mlp_t(ht, twi[0], tbi[0, 0], twh, tbh, two[0],
                                tbo[0, 0], pre=pre3))
    hs = jnp.concatenate(_pe_t(uvt, 4) + [proc], axis=0)
    rect = _mlp_t(hs, swi[0], sbi[0, 0], swh, sbh, swo[0], sbo[0, 0],
                  pre=pre3)
    out_ref[:, 0:2] = jnp.transpose(uvt)
    out_ref[:, 2:5] = jnp.transpose(rect)


def _expert_call(eid, xs, proc, twi, tbi, twh, tbh, two, tbo,
                 swi, sbi, swh, sbh, swo, sbo):
    tbi, tbo, sbi, sbo = (a.reshape(C, 1, -1) for a in (tbi, tbo, sbi, sbo))
    e3 = lambda b, eid_ref: (eid_ref[b], 0, 0)
    e4 = lambda b, eid_ref: (eid_ref[b], 0, 0, 0)
    grid_spec = pltpu.PrefetchScalarGridSpec(
        num_scalar_prefetch=1,
        grid=(NB,),
        in_specs=[
            pl.BlockSpec((B, NPEW), lambda b, eid_ref: (b, 0)),
            pl.BlockSpec((1, 2), lambda b, eid_ref: (0, 0)),
            pl.BlockSpec((1, 29, H), e3),
            pl.BlockSpec((1, 1, H), e3),
            pl.BlockSpec((1, NHID, H, H), e4),
            pl.BlockSpec((1, NHID, H), e3),
            pl.BlockSpec((1, H, 2), e3),
            pl.BlockSpec((1, 1, 2), e3),
            pl.BlockSpec((1, 20, H), e3),
            pl.BlockSpec((1, 1, H), e3),
            pl.BlockSpec((1, NHID, H, H), e4),
            pl.BlockSpec((1, NHID, H), e3),
            pl.BlockSpec((1, H, 3), e3),
            pl.BlockSpec((1, 1, 3), e3),
        ],
        out_specs=pl.BlockSpec((B, NPEW), lambda b, eid_ref: (b, 0)),
    )
    return pl.pallas_call(
        _expert_body,
        grid_spec=grid_spec,
        out_shape=jax.ShapeDtypeStruct((NP, NPEW), jnp.float32),
    )(eid, xs, proc, twi, tbi, twh, tbh, two, tbo,
      swi, sbi, swh, sbh, swo, sbo)



def kernel(x, proc_params, cW_in, cb_in, cW_h, cb_h, cW_out, cb_out,
           tW_in, tb_in, tW_h, tb_h, tW_out, tb_out,
           sW_in, sb_in, sW_h, sb_h, sW_out, sb_out):
    probst, ps, eid = _router_call(x.T, proc_params, cW_in, cb_in,
                                   cW_h, cb_h, cW_out, cb_out)
    probs = probst.T
    x16 = jnp.concatenate(
        [x, jnp.zeros((N, NPEW - 3), jnp.float32)], axis=-1)
    ps2 = ps.reshape(N // 128, 128)
    xs = _sc_scatter_call(x16, ps2)
    ys = _expert_call(eid, xs, proc_params, tW_in, tb_in, tW_h, tb_h,
                      tW_out, tb_out, sW_in, sb_in, sW_h, sb_h,
                      sW_out, sb_out)
    g = _sc_gather_call(ys, ps2)
    return jnp.concatenate([probs, g[:, 0:5]], axis=-1)

# --- scband reference (transcript-rebuilt; emitter-appended) ---
"""Pipeline reference for scband-nuvo-75746043232981 (READ-ONLY COPY).

The authoritative reference and input builder live on the scoring server;
editing this copy changes nothing except your own understanding.
"""

import jax, jax.numpy as jnp
import numpy as np

N = 8192
C = 8
H = 256
NL = 8
C_DEG, T_DEG, S_DEG = 1, 4, 4
C_IN = 3 * (2 * C_DEG + 1) + 2  # 11
T_IN = 3 * (2 * T_DEG + 1) + 2  # 29
S_IN = 2 * (2 * S_DEG + 1) + 2  # 20


def _kaiming(key, shape, fan_in):
    return jax.random.normal(key, shape, dtype=jnp.float32) * np.sqrt(2.0 / fan_in)


def setup_inputs(seed: int = 0) -> dict:
    key = jax.random.key(seed)
    ks = jax.random.split(key, 12)
    x = jax.random.uniform(ks[0], (N, 3), dtype=jnp.float32) * 2.0 - 1.0
    proc = jax.random.normal(ks[1], (1, 2), dtype=jnp.float32)
    inp = {"x": x, "proc_params": proc}
    # chart-assignment MLP (router)
    inp["cW_in"] = _kaiming(ks[2], (C_IN, H), C_IN)
    inp["cb_in"] = jnp.zeros((H,), jnp.float32)
    inp["cW_h"] = _kaiming(ks[3], (NL - 2, H, H), H)
    inp["cb_h"] = jnp.zeros((NL - 2, H), jnp.float32)
    inp["cW_out"] = _kaiming(ks[4], (H, C), H)
    inp["cb_out"] = jnp.zeros((C,), jnp.float32)
    # texture-coordinate MLPs (per-chart experts)
    inp["tW_in"] = _kaiming(ks[5], (C, T_IN, H), T_IN)
    inp["tb_in"] = jnp.zeros((C, H), jnp.float32)
    inp["tW_h"] = _kaiming(ks[6], (C, NL - 2, H, H), H)
    inp["tb_h"] = jnp.zeros((C, NL - 2, H), jnp.float32)
    inp["tW_out"] = _kaiming(ks[7], (C, H, 2), H)
    inp["tb_out"] = jnp.zeros((C, 2), jnp.float32)
    # surface-coordinate MLPs (per-chart experts)
    inp["sW_in"] = _kaiming(ks[8], (C, S_IN, H), S_IN)
    inp["sb_in"] = jnp.zeros((C, H), jnp.float32)
    inp["sW_h"] = _kaiming(ks[9], (C, NL - 2, H, H), H)
    inp["sb_h"] = jnp.zeros((C, NL - 2, H), jnp.float32)
    inp["sW_out"] = _kaiming(ks[10], (C, H, 3), H)
    inp["sb_out"] = jnp.zeros((C, 3), jnp.float32)
    return inp


def _pe(x, degree):
    outs = [x]
    for d in range(1, degree + 1):
        outs.append(jnp.sin((2.0 ** d) * np.pi * x))
        outs.append(jnp.cos((2.0 ** d) * np.pi * x))
    return jnp.concatenate(outs, axis=-1)


def _mlp(h, W_in, b_in, W_h, b_h, W_out, b_out):
    h = jax.nn.relu(h @ W_in + b_in)
    for i in range(W_h.shape[0]):
        h = jax.nn.relu(h @ W_h[i] + b_h[i])
    return h @ W_out + b_out


def reference(x, proc_params, cW_in, cb_in, cW_h, cb_h, cW_out, cb_out,
              tW_in, tb_in, tW_h, tb_h, tW_out, tb_out,
              sW_in, sb_in, sW_h, sb_h, sW_out, sb_out):
    n = x.shape[0]
    proc = jnp.broadcast_to(proc_params, (n, proc_params.shape[1]))
    # 1) router: chart-assignment probabilities
    hc = jnp.concatenate([_pe(x, C_DEG), proc], axis=-1)
    logits = _mlp(hc, cW_in, cb_in, cW_h, cb_h, cW_out, cb_out)
    probs = jax.nn.softmax(logits, axis=1)
    idx = jnp.argmax(probs, axis=1)
    onehot = jax.nn.one_hot(idx, probs.shape[1], dtype=x.dtype)
    # 2) texture-coordinate experts: per-sample chart selection
    ht = jnp.concatenate([_pe(x, T_DEG), proc], axis=-1)
    tex_all = jax.vmap(
        lambda Wi, bi, Wh, bh, Wo, bo: jax.nn.sigmoid(_mlp(ht, Wi, bi, Wh, bh, Wo, bo))
    )(tW_in, tb_in, tW_h, tb_h, tW_out, tb_out)  # [C, N, 2]
    uv = jnp.einsum('nc,cnd->nd', onehot, tex_all)
    # 3) surface-coordinate experts (cycle consistency back to 3D)
    hs = jnp.concatenate([_pe(uv, S_DEG), proc], axis=-1)
    surf_all = jax.vmap(
        lambda Wi, bi, Wh, bh, Wo, bo: _mlp(hs, Wi, bi, Wh, bh, Wo, bo)
    )(sW_in, sb_in, sW_h, sb_h, sW_out, sb_out)  # [C, N, 3]
    recon = jnp.einsum('nc,cnd->nd', onehot, surf_all)
    return jnp.concatenate([probs, uv, recon], axis=-1)  # [N, 8+2+3]

if __name__ == "__main__":
    import jax
    _d = setup_inputs()
    print(jax.jit(kernel)(*tuple(_d.values())))

</pallas_src>

<mosaic_0001>
#map = affine_map<(d0, d1) -> (0, 0)>
module attributes {stable_mosaic.version = 14 : i64} {
  func.func @sc_gather(%arg0: i32, %arg1: i32, %arg2: memref<12288x128xf32, #tpu.memory_space<hbm>>, %arg3: memref<64x128xi32, #tpu.memory_space<hbm>>, %arg4: memref<8192x128xf32, #tpu.memory_space<hbm>>, %arg5: memref<2x128xi32, #tpu.memory_space<vmem>>, %arg6: memref<256x128xf32, #tpu.memory_space<vmem>>, %arg7: memref<!tpu.dma_semaphore, #tpu.memory_space<semaphore_mem>>) attributes {dimension_semantics = [#tpu.dimension_semantics<core_parallel>, #tpu.dimension_semantics<subcore_parallel>], iteration_bounds = array<i64: 2, 16>, scalar_prefetch = 0 : i64, scratch_operands = 3 : i64, tpu.core_type = #tpu.core_type<sc_vector_subcore>, window_params = [{transform_indices = #map}, {transform_indices = #map}, {transform_indices = #map}]} {
    %mul3A = arith.constant 2 : i32
    %mul3A_0 = arith.muli %arg1, %mul3A : i32
    %add3A = arith.addi %mul3A_0, %arg0 : i32
    %mul3A_1 = arith.constant 256 : i32
    %mul3A_2 = arith.muli %add3A, %mul3A_1 : i32
    %mul3A_3 = arith.constant 2 : i32
    %mul3A_4 = arith.muli %add3A, %mul3A_3 : i32
    "tpu.region"() ({
      %run_scoped3A = tpu.sem_alloc : memref<!tpu.dma_semaphore, #tpu.memory_space<semaphore_mem>>
      %dma_start3A_43 = arith.constant 0 : i32
      %dma_start3A_44 = tpu.memref_slice %arg3[%mul3A_4, %dma_start3A_43] : memref<64x128xi32, #tpu.memory_space<hbm>> -> memref<2x128xi32, #tpu.memory_space<hbm>>
      %dma_start3A_45 = arith.constant 0 : i32
      %dma_start3A_46 = tpu.memref_slice %arg3[%mul3A_4, %dma_start3A_45] : memref<64x128xi32, #tpu.memory_space<hbm>> -> memref<2x128xi32, #tpu.memory_space<hbm>>
      tpu.enqueue_dma source(%dma_start3A_46 : memref<2x128xi32, #tpu.memory_space<hbm>>) target(%arg5 : memref<2x128xi32, #tpu.memory_space<vmem>>) target_semaphore(%run_scoped3A : memref<!tpu.dma_semaphore, #tpu.memory_space<semaphore_mem>>)
      %dma_wait3A_47 = arith.constant 0 : i32
      %dma_wait3A_48 = tpu.memref_slice %arg3[%mul3A_4, %dma_wait3A_47] : memref<64x128xi32, #tpu.memory_space<hbm>> -> memref<2x128xi32, #tpu.memory_space<hbm>>
      %dma_wait3A_49 = arith.constant 0 : i32
      %dma_wait3A_50 = tpu.memref_slice %arg3[%mul3A_4, %dma_wait3A_49] : memref<64x128xi32, #tpu.memory_space<hbm>> -> memref<2x128xi32, #tpu.memory_space<hbm>>
      tpu.wait_dma2 semaphore(%run_scoped3A : memref<!tpu.dma_semaphore, #tpu.memory_space<semaphore_mem>>) src(%dma_wait3A_50 : memref<2x128xi32, #tpu.memory_space<hbm>>) dst(%arg5 : memref<2x128xi32, #tpu.memory_space<vmem>>)
      tpu.yield
    }) : () -> ()
    %dma_start3A = arith.constant 0 : i32
    %dma_start3A_5 = arith.constant 0 : i32
    %dma_start3A_6 = arith.constant 0 : i32
    %dma_start3A_7 = tpu.memref_slice %arg6[%dma_start3A_5, %dma_start3A_6] : memref<256x128xf32, #tpu.memory_space<vmem>> -> memref<128x128xf32, #tpu.memory_space<vmem>>
    %dma_start3A_8 = arith.constant 0 : i32
    %dma_start3A_9 = tpu.memref_slice %arg5[%dma_start3A, %dma_start3A_8] : memref<2x128xi32, #tpu.memory_space<vmem>> -> memref<1x128xi32, #tpu.memory_space<vmem>>
    %dma_start3A_10 = tpu.memref_squeeze %dma_start3A_9 : memref<1x128xi32, #tpu.memory_space<vmem>> -> memref<128xi32, #tpu.memory_space<vmem>>
    %dma_start3A_11 = arith.constant 0 : i32
    %dma_start3A_12 = arith.constant 0 : i32
    %dma_start3A_13 = tpu.memref_slice %arg2[%dma_start3A_11, %dma_start3A_12] : memref<12288x128xf32, #tpu.memory_space<hbm>> -> memref<12288x128xf32, #tpu.memory_space<hbm>>
    tpu.enqueue_indirect_dma source(%dma_start3A_13 : memref<12288x128xf32, #tpu.memory_space<hbm>>) target(%dma_start3A_7 : memref<128x128xf32, #tpu.memory_space<vmem>>) offsets(%dma_start3A_10 : memref<128xi32, #tpu.memory_space<vmem>>) semaphore(%arg7 : memref<!tpu.dma_semaphore, #tpu.memory_space<semaphore_mem>>)
    %dma_wait3A = arith.constant 0 : i32
    %dma_wait3A_14 = arith.constant 0 : i32
    %dma_wait3A_15 = arith.constant 0 : i32
    %dma_wait3A_16 = tpu.memref_slice %arg6[%dma_wait3A_14, %dma_wait3A_15] : memref<256x128xf32, #tpu.memory_space<vmem>> -> memref<128x128xf32, #tpu.memory_space<vmem>>
    %dma_wait3A_17 = arith.constant 0 : i32
    %dma_wait3A_18 = tpu.memref_slice %arg5[%dma_wait3A, %dma_wait3A_17] : memref<2x128xi32, #tpu.memory_space<vmem>> -> memref<1x128xi32, #tpu.memory_space<vmem>>
    %dma_wait3A_19 = tpu.memref_squeeze %dma_wait3A_18 : memref<1x128xi32, #tpu.memory_space<vmem>> -> memref<128xi32, #tpu.memory_space<vmem>>
    %dma_wait3A_20 = arith.constant 0 : i32
    %dma_wait3A_21 = arith.constant 0 : i32
    %dma_wait3A_22 = tpu.memref_slice %arg2[%dma_wait3A_20, %dma_wait3A_21] : memref<12288x128xf32, #tpu.memory_space<hbm>> -> memref<12288x128xf32, #tpu.memory_space<hbm>>
    tpu.wait_indirect_dma semaphore(%arg7 : memref<!tpu.dma_semaphore, #tpu.memory_space<semaphore_mem>>) src(%dma_wait3A_22 : memref<12288x128xf32, #tpu.memory_space<hbm>>) dst(%dma_wait3A_16 : memref<128x128xf32, #tpu.memory_space<vmem>>)
    %dma_start3A_23 = arith.constant 1 : i32
    %dma_start3A_24 = arith.constant 128 : i32
    %dma_start3A_25 = arith.constant 0 : i32
    %dma_start3A_26 = tpu.memref_slice %arg6[%dma_start3A_24, %dma_start3A_25] : memref<256x128xf32, #tpu.memory_space<vmem>> -> memref<128x128xf32, #tpu.memory_space<vmem>>
    %dma_start3A_27 = arith.constant 0 : i32
    %dma_start3A_28 = tpu.memref_slice %arg5[%dma_start3A_23, %dma_start3A_27] : memref<2x128xi32, #tpu.memory_space<vmem>> -> memref<1x128xi32, #tpu.memory_space<vmem>>
    %dma_start3A_29 = tpu.memref_squeeze %dma_start3A_28 : memref<1x128xi32, #tpu.memory_space<vmem>> -> memref<128xi32, #tpu.memory_space<vmem>>
    %dma_start3A_30 = arith.constant 0 : i32
    %dma_start3A_31 = arith.constant 0 : i32
    %dma_start3A_32 = tpu.memref_slice %arg2[%dma_start3A_30, %dma_start3A_31] : memref<12288x128xf32, #tpu.memory_space<hbm>> -> memref<12288x128xf32, #tpu.memory_space<hbm>>
    tpu.enqueue_indirect_dma source(%dma_start3A_32 : memref<12288x128xf32, #tpu.memory_space<hbm>>) target(%dma_start3A_26 : memref<128x128xf32, #tpu.memory_space<vmem>>) offsets(%dma_start3A_29 : memref<128xi32, #tpu.memory_space<vmem>>) semaphore(%arg7 : memref<!tpu.dma_semaphore, #tpu.memory_space<semaphore_mem>>)
    %dma_wait3A_33 = arith.constant 1 : i32
    %dma_wait3A_34 = arith.constant 128 : i32
    %dma_wait3A_35 = arith.constant 0 : i32
    %dma_wait3A_36 = tpu.memref_slice %arg6[%dma_wait3A_34, %dma_wait3A_35] : memref<256x128xf32, #tpu.memory_space<vmem>> -> memref<128x128xf32, #tpu.memory_space<vmem>>
    %dma_wait3A_37 = arith.constant 0 : i32
    %dma_wait3A_38 = tpu.memref_slice %arg5[%dma_wait3A_33, %dma_wait3A_37] : memref<2x128xi32, #tpu.memory_space<vmem>> -> memref<1x128xi32, #tpu.memory_space<vmem>>
    %dma_wait3A_39 = tpu.memref_squeeze %dma_wait3A_38 : memref<1x128xi32, #tpu.memory_space<vmem>> -> memref<128xi32, #tpu.memory_space<vmem>>
    %dma_wait3A_40 = arith.constant 0 : i32
    %dma_wait3A_41 = arith.constant 0 : i32
    %dma_wait3A_42 = tpu.memref_slice %arg2[%dma_wait3A_40, %dma_wait3A_41] : memref<12288x128xf32, #tpu.memory_space<hbm>> -> memref<12288x128xf32, #tpu.memory_space<hbm>>
    tpu.wait_indirect_dma semaphore(%arg7 : memref<!tpu.dma_semaphore, #tpu.memory_space<semaphore_mem>>) src(%dma_wait3A_42 : memref<12288x128xf32, #tpu.memory_space<hbm>>) dst(%dma_wait3A_36 : memref<128x128xf32, #tpu.memory_space<vmem>>)
    "tpu.region"() ({
      %run_scoped3A = tpu.sem_alloc : memref<!tpu.dma_semaphore, #tpu.memory_space<semaphore_mem>>
      %dma_start3A_43 = arith.constant 0 : i32
      %dma_start3A_44 = tpu.memref_slice %arg4[%mul3A_2, %dma_start3A_43] : memref<8192x128xf32, #tpu.memory_space<hbm>> -> memref<256x128xf32, #tpu.memory_space<hbm>>
      %dma_start3A_45 = arith.constant 0 : i32
      %dma_start3A_46 = tpu.memref_slice %arg4[%mul3A_2, %dma_start3A_45] : memref<8192x128xf32, #tpu.memory_space<hbm>> -> memref<256x128xf32, #tpu.memory_space<hbm>>
      tpu.enqueue_dma source(%arg6 : memref<256x128xf32, #tpu.memory_space<vmem>>) target(%dma_start3A_46 : memref<256x128xf32, #tpu.memory_space<hbm>>) target_semaphore(%run_scoped3A : memref<!tpu.dma_semaphore, #tpu.memory_space<semaphore_mem>>)
      %dma_wait3A_47 = arith.constant 0 : i32
      %dma_wait3A_48 = tpu.memref_slice %arg4[%mul3A_2, %dma_wait3A_47] : memref<8192x128xf32, #tpu.memory_space<hbm>> -> memref<256x128xf32, #tpu.memory_space<hbm>>
      %dma_wait3A_49 = arith.constant 0 : i32
      %dma_wait3A_50 = tpu.memref_slice %arg4[%mul3A_2, %dma_wait3A_49] : memref<8192x128xf32, #tpu.memory_space<hbm>> -> memref<256x128xf32, #tpu.memory_space<hbm>>
      tpu.wait_dma2 semaphore(%run_scoped3A : memref<!tpu.dma_semaphore, #tpu.memory_space<semaphore_mem>>) src(%arg6 : memref<256x128xf32, #tpu.memory_space<vmem>>) dst(%dma_wait3A_50 : memref<256x128xf32, #tpu.memory_space<hbm>>)
      tpu.yield
    }) : () -> ()
    return
  }
}

#map = affine_map<(d0, d1) -> (0, 0)>
module attributes {stable_mosaic.version = 14 : i64} {
  func.func @sc_scatter(%arg0: i32, %arg1: i32, %arg2: memref<8192x128xf32, #tpu.memory_space<hbm>>, %arg3: memref<64x128xi32, #tpu.memory_space<hbm>>, %arg4: memref<12288x128xf32, #tpu.memory_space<hbm>>, %arg5: memref<2x128xi32, #tpu.memory_space<vmem>>, %arg6: memref<256x128xf32, #tpu.memory_space<vmem>>, %arg7: memref<!tpu.dma_semaphore, #tpu.memory_space<semaphore_mem>>) attributes {dimension_semantics = [#tpu.dimension_semantics<core_parallel>, #tpu.dimension_semantics<subcore_parallel>], iteration_bounds = array<i64: 2, 16>, scalar_prefetch = 0 : i64, scratch_operands = 3 : i64, tpu.core_type = #tpu.core_type<sc_vector_subcore>, window_params = [{transform_indices = #map}, {transform_indices = #map}, {transform_indices = #map}]} {
    %mul3A = arith.constant 2 : i32
    %mul3A_0 = arith.muli %arg1, %mul3A : i32
    %add3A = arith.addi %mul3A_0, %arg0 : i32
    %mul3A_1 = arith.constant 256 : i32
    %mul3A_2 = arith.muli %add3A, %mul3A_1 : i32
    %mul3A_3 = arith.constant 2 : i32
    %mul3A_4 = arith.muli %add3A, %mul3A_3 : i32
    "tpu.region"() ({
      %run_scoped3A = tpu.sem_alloc : memref<!tpu.dma_semaphore, #tpu.memory_space<semaphore_mem>>
      %dma_start3A_43 = arith.constant 0 : i32
      %dma_start3A_44 = tpu.memref_slice %arg3[%mul3A_4, %dma_start3A_43] : memref<64x128xi32, #tpu.memory_space<hbm>> -> memref<2x128xi32, #tpu.memory_space<hbm>>
      %dma_start3A_45 = arith.constant 0 : i32
      %dma_start3A_46 = tpu.memref_slice %arg3[%mul3A_4, %dma_start3A_45] : memref<64x128xi32, #tpu.memory_space<hbm>> -> memref<2x128xi32, #tpu.memory_space<hbm>>
      tpu.enqueue_dma source(%dma_start3A_46 : memref<2x128xi32, #tpu.memory_space<hbm>>) target(%arg5 : memref<2x128xi32, #tpu.memory_space<vmem>>) target_semaphore(%run_scoped3A : memref<!tpu.dma_semaphore, #tpu.memory_space<semaphore_mem>>)
      %dma_wait3A_47 = arith.constant 0 : i32
      %dma_wait3A_48 = tpu.memref_slice %arg3[%mul3A_4, %dma_wait3A_47] : memref<64x128xi32, #tpu.memory_space<hbm>> -> memref<2x128xi32, #tpu.memory_space<hbm>>
      %dma_wait3A_49 = arith.constant 0 : i32
      %dma_wait3A_50 = tpu.memref_slice %arg3[%mul3A_4, %dma_wait3A_49] : memref<64x128xi32, #tpu.memory_space<hbm>> -> memref<2x128xi32, #tpu.memory_space<hbm>>
      tpu.wait_dma2 semaphore(%run_scoped3A : memref<!tpu.dma_semaphore, #tpu.memory_space<semaphore_mem>>) src(%dma_wait3A_50 : memref<2x128xi32, #tpu.memory_space<hbm>>) dst(%arg5 : memref<2x128xi32, #tpu.memory_space<vmem>>)
      tpu.yield
    }) : () -> ()
    "tpu.region"() ({
      %run_scoped3A = tpu.sem_alloc : memref<!tpu.dma_semaphore, #tpu.memory_space<semaphore_mem>>
      %dma_start3A_43 = arith.constant 0 : i32
      %dma_start3A_44 = tpu.memref_slice %arg2[%mul3A_2, %dma_start3A_43] : memref<8192x128xf32, #tpu.memory_space<hbm>> -> memref<256x128xf32, #tpu.memory_space<hbm>>
      %dma_start3A_45 = arith.constant 0 : i32
      %dma_start3A_46 = tpu.memref_slice %arg2[%mul3A_2, %dma_start3A_45] : memref<8192x128xf32, #tpu.memory_space<hbm>> -> memref<256x128xf32, #tpu.memory_space<hbm>>
      tpu.enqueue_dma source(%dma_start3A_46 : memref<256x128xf32, #tpu.memory_space<hbm>>) target(%arg6 : memref<256x128xf32, #tpu.memory_space<vmem>>) target_semaphore(%run_scoped3A : memref<!tpu.dma_semaphore, #tpu.memory_space<semaphore_mem>>)
      %dma_wait3A_47 = arith.constant 0 : i32
      %dma_wait3A_48 = tpu.memref_slice %arg2[%mul3A_2, %dma_wait3A_47] : memref<8192x128xf32, #tpu.memory_space<hbm>> -> memref<256x128xf32, #tpu.memory_space<hbm>>
      %dma_wait3A_49 = arith.constant 0 : i32
      %dma_wait3A_50 = tpu.memref_slice %arg2[%mul3A_2, %dma_wait3A_49] : memref<8192x128xf32, #tpu.memory_space<hbm>> -> memref<256x128xf32, #tpu.memory_space<hbm>>
      tpu.wait_dma2 semaphore(%run_scoped3A : memref<!tpu.dma_semaphore, #tpu.memory_space<semaphore_mem>>) src(%dma_wait3A_50 : memref<256x128xf32, #tpu.memory_space<hbm>>) dst(%arg6 : memref<256x128xf32, #tpu.memory_space<vmem>>)
      tpu.yield
    }) : () -> ()
    %dma_start3A = arith.constant 0 : i32
    %dma_start3A_5 = arith.constant 0 : i32
    %dma_start3A_6 = arith.constant 0 : i32
    %dma_start3A_7 = tpu.memref_slice %arg6[%dma_start3A_5, %dma_start3A_6] : memref<256x128xf32, #tpu.memory_space<vmem>> -> memref<128x128xf32, #tpu.memory_space<vmem>>
    %dma_start3A_8 = arith.constant 0 : i32
    %dma_start3A_9 = tpu.memref_slice %arg5[%dma_start3A, %dma_start3A_8] : memref<2x128xi32, #tpu.memory_space<vmem>> -> memref<1x128xi32, #tpu.memory_space<vmem>>
    %dma_start3A_10 = tpu.memref_squeeze %dma_start3A_9 : memref<1x128xi32, #tpu.memory_space<vmem>> -> memref<128xi32, #tpu.memory_space<vmem>>
    %dma_start3A_11 = arith.constant 0 : i32
    %dma_start3A_12 = arith.constant 0 : i32
    %dma_start3A_13 = tpu.memref_slice %arg4[%dma_start3A_11, %dma_start3A_12] : memref<12288x128xf32, #tpu.memory_space<hbm>> -> memref<12288x128xf32, #tpu.memory_space<hbm>>
    tpu.enqueue_indirect_dma source(%dma_start3A_7 : memref<128x128xf32, #tpu.memory_space<vmem>>) target(%dma_start3A_13 : memref<12288x128xf32, #tpu.memory_space<hbm>>) offsets(%dma_start3A_10 : memref<128xi32, #tpu.memory_space<vmem>>) semaphore(%arg7 : memref<!tpu.dma_semaphore, #tpu.memory_space<semaphore_mem>>)
    %dma_wait3A = arith.constant 0 : i32
    %dma_wait3A_14 = arith.constant 0 : i32
    %dma_wait3A_15 = arith.constant 0 : i32
    %dma_wait3A_16 = tpu.memref_slice %arg6[%dma_wait3A_14, %dma_wait3A_15] : memref<256x128xf32, #tpu.memory_space<vmem>> -> memref<128x128xf32, #tpu.memory_space<vmem>>
    %dma_wait3A_17 = arith.constant 0 : i32
    %dma_wait3A_18 = tpu.memref_slice %arg5[%dma_wait3A, %dma_wait3A_17] : memref<2x128xi32, #tpu.memory_space<vmem>> -> memref<1x128xi32, #tpu.memory_space<vmem>>
    %dma_wait3A_19 = tpu.memref_squeeze %dma_wait3A_18 : memref<1x128xi32, #tpu.memory_space<vmem>> -> memref<128xi32, #tpu.memory_space<vmem>>
    %dma_wait3A_20 = arith.constant 0 : i32
    %dma_wait3A_21 = arith.constant 0 : i32
    %dma_wait3A_22 = tpu.memref_slice %arg4[%dma_wait3A_20, %dma_wait3A_21] : memref<12288x128xf32, #tpu.memory_space<hbm>> -> memref<12288x128xf32, #tpu.memory_space<hbm>>
    tpu.wait_indirect_dma semaphore(%arg7 : memref<!tpu.dma_semaphore, #tpu.memory_space<semaphore_mem>>) src(%dma_wait3A_16 : memref<128x128xf32, #tpu.memory_space<vmem>>) dst(%dma_wait3A_22 : memref<12288x128xf32, #tpu.memory_space<hbm>>)
    %dma_start3A_23 = arith.constant 1 : i32
    %dma_start3A_24 = arith.constant 128 : i32
    %dma_start3A_25 = arith.constant 0 : i32
    %dma_start3A_26 = tpu.memref_slice %arg6[%dma_start3A_24, %dma_start3A_25] : memref<256x128xf32, #tpu.memory_space<vmem>> -> memref<128x128xf32, #tpu.memory_space<vmem>>
    %dma_start3A_27 = arith.constant 0 : i32
    %dma_start3A_28 = tpu.memref_slice %arg5[%dma_start3A_23, %dma_start3A_27] : memref<2x128xi32, #tpu.memory_space<vmem>> -> memref<1x128xi32, #tpu.memory_space<vmem>>
    %dma_start3A_29 = tpu.memref_squeeze %dma_start3A_28 : memref<1x128xi32, #tpu.memory_space<vmem>> -> memref<128xi32, #tpu.memory_space<vmem>>
    %dma_start3A_30 = arith.constant 0 : i32
    %dma_start3A_31 = arith.constant 0 : i32
    %dma_start3A_32 = tpu.memref_slice %arg4[%dma_start3A_30, %dma_start3A_31] : memref<12288x128xf32, #tpu.memory_space<hbm>> -> memref<12288x128xf32, #tpu.memory_space<hbm>>
    tpu.enqueue_indirect_dma source(%dma_start3A_26 : memref<128x128xf32, #tpu.memory_space<vmem>>) target(%dma_start3A_32 : memref<12288x128xf32, #tpu.memory_space<hbm>>) offsets(%dma_start3A_29 : memref<128xi32, #tpu.memory_space<vmem>>) semaphore(%arg7 : memref<!tpu.dma_semaphore, #tpu.memory_space<semaphore_mem>>)
    %dma_wait3A_33 = arith.constant 1 : i32
    %dma_wait3A_34 = arith.constant 128 : i32
    %dma_wait3A_35 = arith.constant 0 : i32
    %dma_wait3A_36 = tpu.memref_slice %arg6[%dma_wait3A_34, %dma_wait3A_35] : memref<256x128xf32, #tpu.memory_space<vmem>> -> memref<128x128xf32, #tpu.memory_space<vmem>>
    %dma_wait3A_37 = arith.constant 0 : i32
    %dma_wait3A_38 = tpu.memref_slice %arg5[%dma_wait3A_33, %dma_wait3A_37] : memref<2x128xi32, #tpu.memory_space<vmem>> -> memref<1x128xi32, #tpu.memory_space<vmem>>
    %dma_wait3A_39 = tpu.memref_squeeze %dma_wait3A_38 : memref<1x128xi32, #tpu.memory_space<vmem>> -> memref<128xi32, #tpu.memory_space<vmem>>
    %dma_wait3A_40 = arith.constant 0 : i32
    %dma_wait3A_41 = arith.constant 0 : i32
    %dma_wait3A_42 = tpu.memref_slice %arg4[%dma_wait3A_40, %dma_wait3A_41] : memref<12288x128xf32, #tpu.memory_space<hbm>> -> memref<12288x128xf32, #tpu.memory_space<hbm>>
    tpu.wait_indirect_dma semaphore(%arg7 : memref<!tpu.dma_semaphore, #tpu.memory_space<semaphore_mem>>) src(%dma_wait3A_36 : memref<128x128xf32, #tpu.memory_space<vmem>>) dst(%dma_wait3A_42 : memref<12288x128xf32, #tpu.memory_space<hbm>>)
    return
  }
}

module attributes {stable_mosaic.version = 14 : i64} {
  func.func @_router_body(%arg0: memref<3x8192xf32, #tpu.memory_space<vmem>>, %arg1: memref<1x2xf32, #tpu.memory_space<vmem>>, %arg2: memref<11x256xf32, #tpu.memory_space<vmem>>, %arg3: memref<256xf32, #tpu.memory_space<vmem>>, %arg4: memref<6x256x256xf32, #tpu.memory_space<vmem>>, %arg5: memref<6x256xf32, #tpu.memory_space<vmem>>, %arg6: memref<256x8xf32, #tpu.memory_space<vmem>>, %arg7: memref<8xf32, #tpu.memory_space<vmem>>, %arg8: memref<8x8192xf32, #tpu.memory_space<vmem>>, %arg9: memref<1x8192xi32, #tpu.memory_space<vmem>>, %arg10: memref<24xi32, #tpu.memory_space<vmem>>) attributes {dimension_semantics = [], scalar_prefetch = 0 : i64, scratch_operands = 0 : i64, tpu.core_type = #tpu.core_type<tc>} {
    %get3A = arith.constant 0 : index
    %get3A_0 = arith.constant 0 : index
    %get3A_1 = vector.load %arg1[%get3A, %get3A_0] : memref<1x2xf32, #tpu.memory_space<vmem>>, vector<1x2xf32>
    %transpose3A = tpu.transpose %get3A_1, [1, 0] : vector<1x2xf32> -> vector<2x1xf32>
    %broadcast_in_dim3A = vector.shape_cast %transpose3A : vector<2x1xf32> to vector<2x1xf32>
    %broadcast_in_dim3A_2 = vector.broadcast %broadcast_in_dim3A : vector<2x1xf32> to vector<2x2048xf32>
    %get3A_3 = arith.constant 0 : index
    %get3A_4 = arith.constant 0 : index
    %get3A_5 = vector.load %arg2[%get3A_3, %get3A_4] : memref<11x256xf32, #tpu.memory_space<vmem>>, vector<11x256xf32>
    %get3A_6 = arith.constant 0 : index
    %get3A_7 = vector.load %arg3[%get3A_6] : memref<256xf32, #tpu.memory_space<vmem>>, vector<256xf32>
    %get3A_8 = arith.constant 0 : index
    %get3A_9 = arith.constant 0 : index
    %get3A_10 = vector.load %arg6[%get3A_8, %get3A_9] : memref<256x8xf32, #tpu.memory_space<vmem>>, vector<256x8xf32>
    %get3A_11 = arith.constant 0 : index
    %get3A_12 = vector.load %arg7[%get3A_11] : memref<8xf32, #tpu.memory_space<vmem>>, vector<8xf32>
    %get3A_13 = arith.constant 0 : index
    %get3A_14 = arith.constant 0 : index
    %get3A_15 = vector.load %arg0[%get3A_13, %get3A_14] : memref<3x8192xf32, #tpu.memory_space<vmem>>, vector<3x2048xf32>
    %mul3A = arith.constant 6.28318548 : f32
    %mul3A_16 = vector.broadcast %mul3A : f32 to vector<3x2048xf32>
    %mul3A_17 = arith.mulf %mul3A_16, %get3A_15 : vector<3x2048xf32>
    %sin3A = math.sin %mul3A_17 : vector<3x2048xf32>
    %mul3A_18 = arith.constant 6.28318548 : f32
    %mul3A_19 = vector.broadcast %mul3A_18 : f32 to vector<3x2048xf32>
    %mul3A_20 = arith.mulf %mul3A_19, %get3A_15 : vector<3x2048xf32>
    %cos3A = math.cos %mul3A_20 : vector<3x2048xf32>
    %concatenate3A = tpu.concatenate %get3A_15, %sin3A, %cos3A, %broadcast_in_dim3A_2 in 0 : vector<3x2048xf32>, vector<3x2048xf32>, vector<3x2048xf32>, vector<2x2048xf32> -> vector<11x2048xf32>
    %dot_general3A = arith.constant dense<0.000000e+00> : vector<256x2048xf32>
    %dot_general3A_21 = tpu.matmul %get3A_5, %concatenate3A, %dot_general3A {dimension_numbers = #tpu.dot_dimension_numbers<[0], [0], [1], [1], [0, 1, 1, 1], [], []>, transpose_lhs_hint = false} : vector<11x256xf32>, vector<11x2048xf32>, vector<256x2048xf32> -> vector<256x2048xf32>
    %broadcast_in_dim3A_22 = vector.shape_cast %get3A_7 : vector<256xf32> to vector<256x1xf32>
    %add3A = vector.broadcast %broadcast_in_dim3A_22 : vector<256x1xf32> to vector<256x2048xf32>
    %add3A_23 = arith.addf %dot_general3A_21, %add3A : vector<256x2048xf32>
    %max3A = arith.constant 0.000000e+00 : f32
    %max3A_24 = vector.broadcast %max3A : f32 to vector<256x2048xf32>
    %max3A_25 = arith.maximumf %add3A_23, %max3A_24 : vector<256x2048xf32>
    %get3A_26 = arith.constant 0 : index
    %get3A_27 = arith.constant 0 : index
    %get3A_28 = arith.constant 0 : index
    %get3A_29 = vector.load %arg4[%get3A_26, %get3A_27, %get3A_28] : memref<6x256x256xf32, #tpu.memory_space<vmem>>, vector<1x256x256xf32>
    %get3A_30 = vector.shape_cast %get3A_29 : vector<1x256x256xf32> to vector<256x256xf32>
    %dot_general3A_31 = arith.constant dense<0.000000e+00> : vector<256x2048xf32>
    %dot_general3A_32 = tpu.matmul %get3A_30, %max3A_25, %dot_general3A_31 {dimension_numbers = #tpu.dot_dimension_numbers<[0], [0], [1], [1], [0, 1, 1, 1], [], []>, transpose_lhs_hint = false} : vector<256x256xf32>, vector<256x2048xf32>, vector<256x2048xf32> -> vector<256x2048xf32>
    %get3A_33 = arith.constant 0 : index
    %get3A_34 = arith.constant 0 : index
    %get3A_35 = vector.load %arg5[%get3A_33, %get3A_34] : memref<6x256xf32, #tpu.memory_space<vmem>>, vector<1x256xf32>
    %get3A_36 = vector.shape_cast %get3A_35 : vector<1x256xf32> to vector<256xf32>
    %broadcast_in_dim3A_37 = vector.shape_cast %get3A_36 : vector<256xf32> to vector<256x1xf32>
    %add3A_38 = vector.broadcast %broadcast_in_dim3A_37 : vector<256x1xf32> to vector<256x2048xf32>
    %add3A_39 = arith.addf %dot_general3A_32, %add3A_38 : vector<256x2048xf32>
    %max3A_40 = arith.constant 0.000000e+00 : f32
    %max3A_41 = vector.broadcast %max3A_40 : f32 to vector<256x2048xf32>
    %max3A_42 = arith.maximumf %add3A_39, %max3A_41 : vector<256x2048xf32>
    %get3A_43 = arith.constant 1 : index
    %get3A_44 = arith.constant 0 : index
    %get3A_45 = arith.constant 0 : index
    %get3A_46 = vector.load %arg4[%get3A_43, %get3A_44, %get3A_45] : memref<6x256x256xf32, #tpu.memory_space<vmem>>, vector<1x256x256xf32>
    %get3A_47 = vector.shape_cast %get3A_46 : vector<1x256x256xf32> to vector<256x256xf32>
    %dot_general3A_48 = arith.constant dense<0.000000e+00> : vector<256x2048xf32>
    %dot_general3A_49 = tpu.matmul %get3A_47, %max3A_42, %dot_general3A_48 {dimension_numbers = #tpu.dot_dimension_numbers<[0], [0], [1], [1], [0, 1, 1, 1], [], []>, transpose_lhs_hint = false} : vector<256x256xf32>, vector<256x2048xf32>, vector<256x2048xf32> -> vector<256x2048xf32>
    %get3A_50 = arith.constant 1 : index
    %get3A_51 = arith.constant 0 : index
    %get3A_52 = vector.load %arg5[%get3A_50, %get3A_51] : memref<6x256xf32, #tpu.memory_space<vmem>>, vector<1x256xf32>
    %get3A_53 = vector.shape_cast %get3A_52 : vector<1x256xf32> to vector<256xf32>
    %broadcast_in_dim3A_54 = vector.shape_cast %get3A_53 : vector<256xf32> to vector<256x1xf32>
    %add3A_55 = vector.broadcast %broadcast_in_dim3A_54 : vector<256x1xf32> to vector<256x2048xf32>
    %add3A_56 = arith.addf %dot_general3A_49, %add3A_55 : vector<256x2048xf32>
    %max3A_57 = arith.constant 0.000000e+00 : f32
    %max3A_58 = vector.broadcast %max3A_57 : f32 to vector<256x2048xf32>
    %max3A_59 = arith.maximumf %add3A_56, %max3A_58 : vector<256x2048xf32>
    %get3A_60 = arith.constant 2 : index
    %get3A_61 = arith.constant 0 : index
    %get3A_62 = arith.constant 0 : index
    %get3A_63 = vector.load %arg4[%get3A_60, %get3A_61, %get3A_62] : memref<6x256x256xf32, #tpu.memory_space<vmem>>, vector<1x256x256xf32>
    %get3A_64 = vector.shape_cast %get3A_63 : vector<1x256x256xf32> to vector<256x256xf32>
    %dot_general3A_65 = arith.constant dense<0.000000e+00> : vector<256x2048xf32>
    %dot_general3A_66 = tpu.matmul %get3A_64, %max3A_59, %dot_general3A_65 {dimension_numbers = #tpu.dot_dimension_numbers<[0], [0], [1], [1], [0, 1, 1, 1], [], []>, transpose_lhs_hint = false} : vector<256x256xf32>, vector<256x2048xf32>, vector<256x2048xf32> -> vector<256x2048xf32>
    %get3A_67 = arith.constant 2 : index
    %get3A_68 = arith.constant 0 : index
    %get3A_69 = vector.load %arg5[%get3A_67, %get3A_68] : memref<6x256xf32, #tpu.memory_space<vmem>>, vector<1x256xf32>
    %get3A_70 = vector.shape_cast %get3A_69 : vector<1x256xf32> to vector<256xf32>
    %broadcast_in_dim3A_71 = vector.shape_cast %get3A_70 : vector<256xf32> to vector<256x1xf32>
    %add3A_72 = vector.broadcast %broadcast_in_dim3A_71 : vector<256x1xf32> to vector<256x2048xf32>
    %add3A_73 = arith.addf %dot_general3A_66, %add3A_72 : vector<256x2048xf32>
    %max3A_74 = arith.constant 0.000000e+00 : f32
    %max3A_75 = vector.broadcast %max3A_74 : f32 to vector<256x2048xf32>
    %max3A_76 = arith.maximumf %add3A_73, %max3A_75 : vector<256x2048xf32>
    %get3A_77 = arith.constant 3 : index
    %get3A_78 = arith.constant 0 : index
    %get3A_79 = arith.constant 0 : index
    %get3A_80 = vector.load %arg4[%get3A_77, %get3A_78, %get3A_79] : memref<6x256x256xf32, #tpu.memory_space<vmem>>, vector<1x256x256xf32>
    %get3A_81 = vector.shape_cast %get3A_80 : vector<1x256x256xf32> to vector<256x256xf32>
    %dot_general3A_82 = arith.constant dense<0.000000e+00> : vector<256x2048xf32>
    %dot_general3A_83 = tpu.matmul %get3A_81, %max3A_76, %dot_general3A_82 {dimension_numbers = #tpu.dot_dimension_numbers<[0], [0], [1], [1], [0, 1, 1, 1], [], []>, transpose_lhs_hint = false} : vector<256x256xf32>, vector<256x2048xf32>, vector<256x2048xf32> -> vector<256x2048xf32>
    %get3A_84 = arith.constant 3 : index
    %get3A_85 = arith.constant 0 : index
    %get3A_86 = vector.load %arg5[%get3A_84, %get3A_85] : memref<6x256xf32, #tpu.memory_space<vmem>>, vector<1x256xf32>
    %get3A_87 = vector.shape_cast %get3A_86 : vector<1x256xf32> to vector<256xf32>
    %broadcast_in_dim3A_88 = vector.shape_cast %get3A_87 : vector<256xf32> to vector<256x1xf32>
    %add3A_89 = vector.broadcast %broadcast_in_dim3A_88 : vector<256x1xf32> to vector<256x2048xf32>
    %add3A_90 = arith.addf %dot_general3A_83, %add3A_89 : vector<256x2048xf32>
    %max3A_91 = arith.constant 0.000000e+00 : f32
    %max3A_92 = vector.broadcast %max3A_91 : f32 to vector<256x2048xf32>
    %max3A_93 = arith.maximumf %add3A_90, %max3A_92 : vector<256x2048xf32>
    %get3A_94 = arith.constant 4 : index
    %get3A_95 = arith.constant 0 : index
    %get3A_96 = arith.constant 0 : index
    %get3A_97 = vector.load %arg4[%get3A_94, %get3A_95, %get3A_96] : memref<6x256x256xf32, #tpu.memory_space<vmem>>, vector<1x256x256xf32>
    %get3A_98 = vector.shape_cast %get3A_97 : vector<1x256x256xf32> to vector<256x256xf32>
    %dot_general3A_99 = arith.constant dense<0.000000e+00> : vector<256x2048xf32>
    %dot_general3A_100 = tpu.matmul %get3A_98, %max3A_93, %dot_general3A_99 {dimension_numbers = #tpu.dot_dimension_numbers<[0], [0], [1], [1], [0, 1, 1, 1], [], []>, transpose_lhs_hint = false} : vector<256x256xf32>, vector<256x2048xf32>, vector<256x2048xf32> -> vector<256x2048xf32>
    %get3A_101 = arith.constant 4 : index
    %get3A_102 = arith.constant 0 : index
    %get3A_103 = vector.load %arg5[%get3A_101, %get3A_102] : memref<6x256xf32, #tpu.memory_space<vmem>>, vector<1x256xf32>
    %get3A_104 = vector.shape_cast %get3A_103 : vector<1x256xf32> to vector<256xf32>
    %broadcast_in_dim3A_105 = vector.shape_cast %get3A_104 : vector<256xf32> to vector<256x1xf32>
    %add3A_106 = vector.broadcast %broadcast_in_dim3A_105 : vector<256x1xf32> to vector<256x2048xf32>
    %add3A_107 = arith.addf %dot_general3A_100, %add3A_106 : vector<256x2048xf32>
    %max3A_108 = arith.constant 0.000000e+00 : f32
    %max3A_109 = vector.broadcast %max3A_108 : f32 to vector<256x2048xf32>
    %max3A_110 = arith.maximumf %add3A_107, %max3A_109 : vector<256x2048xf32>
    %get3A_111 = arith.constant 5 : index
    %get3A_112 = arith.constant 0 : index
    %get3A_113 = arith.constant 0 : index
    %get3A_114 = vector.load %arg4[%get3A_111, %get3A_112, %get3A_113] : memref<6x256x256xf32, #tpu.memory_space<vmem>>, vector<1x256x256xf32>
    %get3A_115 = vector.shape_cast %get3A_114 : vector<1x256x256xf32> to vector<256x256xf32>
    %dot_general3A_116 = arith.constant dense<0.000000e+00> : vector<256x2048xf32>
    %dot_general3A_117 = tpu.matmul %get3A_115, %max3A_110, %dot_general3A_116 {dimension_numbers = #tpu.dot_dimension_numbers<[0], [0], [1], [1], [0, 1, 1, 1], [], []>, transpose_lhs_hint = false} : vector<256x256xf32>, vector<256x2048xf32>, vector<256x2048xf32> -> vector<256x2048xf32>
    %get3A_118 = arith.constant 5 : index
    %get3A_119 = arith.constant 0 : index
    %get3A_120 = vector.load %arg5[%get3A_118, %get3A_119] : memref<6x256xf32, #tpu.memory_space<vmem>>, vector<1x256xf32>
    %get3A_121 = vector.shape_cast %get3A_120 : vector<1x256xf32> to vector<256xf32>
    %broadcast_in_dim3A_122 = vector.shape_cast %get3A_121 : vector<256xf32> to vector<256x1xf32>
    %add3A_123 = vector.broadcast %broadcast_in_dim3A_122 : vector<256x1xf32> to vector<256x2048xf32>
    %add3A_124 = arith.addf %dot_general3A_117, %add3A_123 : vector<256x2048xf32>
    %max3A_125 = arith.constant 0.000000e+00 : f32
    %max3A_126 = vector.broadcast %max3A_125 : f32 to vector<256x2048xf32>
    %max3A_127 = arith.maximumf %add3A_124, %max3A_126 : vector<256x2048xf32>
    %dot_general3A_128 = arith.constant dense<0.000000e+00> : vector<8x2048xf32>
    %dot_general3A_129 = tpu.matmul %get3A_10, %max3A_127, %dot_general3A_128 {dimension_numbers = #tpu.dot_dimension_numbers<[0], [0], [1], [1], [0, 1, 1, 1], [], []>, transpose_lhs_hint = false} : vector<256x8xf32>, vector<256x2048xf32>, vector<8x2048xf32> -> vector<8x2048xf32>
    %broadcast_in_dim3A_130 = vector.shape_cast %get3A_12 : vector<8xf32> to vector<8x1xf32>
    %add3A_131 = vector.broadcast %broadcast_in_dim3A_130 : vector<8x1xf32> to vector<8x2048xf32>
    %add3A_132 = arith.addf %dot_general3A_129, %add3A_131 : vector<8x2048xf32>
    %reduce_max3A = arith.constant dense<0xFF800000> : vector<2048xf32>
    %reduce_max3A_133 = vector.multi_reduction <maximumf>, %add3A_132, %reduce_max3A [0] : vector<8x2048xf32> to vector<2048xf32>
    %broadcast_in_dim3A_134 = vector.shape_cast %reduce_max3A_133 : vector<2048xf32> to vector<1x2048xf32>
    %sub3A = vector.broadcast %broadcast_in_dim3A_134 : vector<1x2048xf32> to vector<8x2048xf32>
    %sub3A_135 = arith.subf %add3A_132, %sub3A : vector<8x2048xf32>
    %exp3A = math.exp %sub3A_135 : vector<8x2048xf32>
    %reduce_sum3A = arith.constant dense<0.000000e+00> : vector<2048xf32>
    %reduce_sum3A_136 = vector.multi_reduction <add>, %exp3A, %reduce_sum3A [0] : vector<8x2048xf32> to vector<2048xf32>
    %broadcast_in_dim3A_137 = vector.shape_cast %reduce_sum3A_136 : vector<2048xf32> to vector<1x2048xf32>
    %div3A = vector.broadcast %broadcast_in_dim3A_137 : vector<1x2048xf32> to vector<8x2048xf32>
    %div3A_138 = arith.divf %exp3A, %div3A : vector<8x2048xf32>
    %swap3A = arith.constant 0 : index
    %swap3A_139 = arith.constant 0 : index
    %swap3A_140 = vector.load %arg8[%swap3A, %swap3A_139] : memref<8x8192xf32, #tpu.memory_space<vmem>>, vector<8x2048xf32>
    tpu.vector_store %arg8[%swap3A, %swap3A_139], %div3A_138 {strides = array<i32>} : memref<8x8192xf32, #tpu.memory_space<vmem>>, vector<8x2048xf32>,
    %get3A_141 = arith.constant 0 : index
    %get3A_142 = arith.constant 2048 : index
    %get3A_143 = vector.load %arg0[%get3A_141, %get3A_142] : memref<3x8192xf32, #tpu.memory_space<vmem>>, vector<3x2048xf32>
    %mul3A_144 = arith.constant 6.28318548 : f32
    %mul3A_145 = vector.broadcast %mul3A_144 : f32 to vector<3x2048xf32>
    %mul3A_146 = arith.mulf %mul3A_145, %get3A_143 : vector<3x2048xf32>
    %sin3A_147 = math.sin %mul3A_146 : vector<3x2048xf32>
    %mul3A_148 = arith.constant 6.28318548 : f32
    %mul3A_149 = vector.broadcast %mul3A_148 : f32 to vector<3x2048xf32>
    %mul3A_150 = arith.mulf %mul3A_149, %get3A_143 : vector<3x2048xf32>
    %cos3A_151 = math.cos %mul3A_150 : vector<3x2048xf32>
    %concatenate3A_152 = tpu.concatenate %get3A_143, %sin3A_147, %cos3A_151, %broadcast_in_dim3A_2 in 0 : vector<3x2048xf32>, vector<3x2048xf32>, vector<3x2048xf32>, vector<2x2048xf32> -> vector<11x2048xf32>
    %dot_general3A_153 = arith.constant dense<0.000000e+00> : vector<256x2048xf32>
    %dot_general3A_154 = tpu.matmul %get3A_5, %concatenate3A_152, %dot_general3A_153 {dimension_numbers = #tpu.dot_dimension_numbers<[0], [0], [1], [1], [0, 1, 1, 1], [], []>, transpose_lhs_hint = false} : vector<11x256xf32>, vector<11x2048xf32>, vector<256x2048xf32> -> vector<256x2048xf32>
    %broadcast_in_dim3A_155 = vector.shape_cast %get3A_7 : vector<256xf32> to vector<256x1xf32>
    %add3A_156 = vector.broadcast %broadcast_in_dim3A_155 : vector<256x1xf32> to vector<256x2048xf32>
    %add3A_157 = arith.addf %dot_general3A_154, %add3A_156 : vector<256x2048xf32>
    %max3A_158 = arith.constant 0.000000e+00 : f32
    %max3A_159 = vector.broadcast %max3A_158 : f32 to vector<256x2048xf32>
    %max3A_160 = arith.maximumf %add3A_157, %max3A_159 : vector<256x2048xf32>
    %get3A_161 = arith.constant 0 : index
    %get3A_162 = arith.constant 0 : index
    %get3A_163 = arith.constant 0 : index
    %get3A_164 = vector.load %arg4[%get3A_161, %get3A_162, %get3A_163] : memref<6x256x256xf32, #tpu.memory_space<vmem>>, vector<1x256x256xf32>
    %get3A_165 = vector.shape_cast %get3A_164 : vector<1x256x256xf32> to vector<256x256xf32>
    %dot_general3A_166 = arith.constant dense<0.000000e+00> : vector<256x2048xf32>
    %dot_general3A_167 = tpu.matmul %get3A_165, %max3A_160, %dot_general3A_166 {dimension_numbers = #tpu.dot_dimension_numbers<[0], [0], [1], [1], [0, 1, 1, 1], [], []>, transpose_lhs_hint = false} : vector<256x256xf32>, vector<256x2048xf32>, vector<256x2048xf32> -> vector<256x2048xf32>
    %get3A_168 = arith.constant 0 : index
    %get3A_169 = arith.constant 0 : index
    %get3A_170 = vector.load %arg5[%get3A_168, %get3A_169] : memref<6x256xf32, #tpu.memory_space<vmem>>, vector<1x256xf32>
    %get3A_171 = vector.shape_cast %get3A_170 : vector<1x256xf32> to vector<256xf32>
    %broadcast_in_dim3A_172 = vector.shape_cast %get3A_171 : vector<256xf32> to vector<256x1xf32>
    %add3A_173 = vector.broadcast %broadcast_in_dim3A_172 : vector<256x1xf32> to vector<256x2048xf32>
    %add3A_174 = arith.addf %dot_general3A_167, %add3A_173 : vector<256x2048xf32>
    %max3A_175 = arith.constant 0.000000e+00 : f32
    %max3A_176 = vector.broadcast %max3A_175 : f32 to vector<256x2048xf32>
    %max3A_177 = arith.maximumf %add3A_174, %max3A_176 : vector<256x2048xf32>
    %get3A_178 = arith.constant 1 : index
    %get3A_179 = arith.constant 0 : index
    %get3A_180 = arith.constant 0 : index
    %get3A_181 = vector.load %arg4[%get3A_178, %get3A_179, %get3A_180] : memref<6x256x256xf32, #tpu.memory_space<vmem>>, vector<1x256x256xf32>
    %get3A_182 = vector.shape_cast %get3A_181 : vector<1x256x256xf32> to vector<256x256xf32>
    %dot_general3A_183 = arith.constant dense<0.000000e+00> : vector<256x2048xf32>
    %dot_general3A_184 = tpu.matmul %get3A_182, %max3A_177, %dot_general3A_183 {dimension_numbers = #tpu.dot_dimension_numbers<[0], [0], [1], [1], [0, 1, 1, 1], [], []>, transpose_lhs_hint = false} : vector<256x256xf32>, vector<256x2048xf32>, vector<256x2048xf32> -> vector<256x2048xf32>
    %get3A_185 = arith.constant 1 : index
    %get3A_186 = arith.constant 0 : index
    %get3A_187 = vector.load %arg5[%get3A_185, %get3A_186] : memref<6x256xf32, #tpu.memory_space<vmem>>, vector<1x256xf32>
    %get3A_188 = vector.shape_cast %get3A_187 : vector<1x256xf32> to vector<256xf32>
    %broadcast_in_dim3A_189 = vector.shape_cast %get3A_188 : vector<256xf32> to vector<256x1xf32>
    %add3A_190 = vector.broadcast %broadcast_in_dim3A_189 : vector<256x1xf32> to vector<256x2048xf32>
    %add3A_191 = arith.addf %dot_general3A_184, %add3A_190 : vector<256x2048xf32>
    %max3A_192 = arith.constant 0.000000e+00 : f32
    %max3A_193 = vector.broadcast %max3A_192 : f32 to vector<256x2048xf32>
    %max3A_194 = arith.maximumf %add3A_191, %max3A_193 : vector<256x2048xf32>
    %get3A_195 = arith.constant 2 : index
    %get3A_196 = arith.constant 0 : index
    %get3A_197 = arith.constant 0 : index
    %get3A_198 = vector.load %arg4[%get3A_195, %get3A_196, %get3A_197] : memref<6x256x256xf32, #tpu.memory_space<vmem>>, vector<1x256x256xf32>
    %get3A_199 = vector.shape_cast %get3A_198 : vector<1x256x256xf32> to vector<256x256xf32>
    %dot_general3A_200 = arith.constant dense<0.000000e+00> : vector<256x2048xf32>
    %dot_general3A_201 = tpu.matmul %get3A_199, %max3A_194, %dot_general3A_200 {dimension_numbers = #tpu.dot_dimension_numbers<[0], [0], [1], [1], [0, 1, 1, 1], [], []>, transpose_lhs_hint = false} : vector<256x256xf32>, vector<256x2048xf32>, vector<256x2048xf32> -> vector<256x2048xf32>
    %get3A_202 = arith.constant 2 : index
    %get3A_203 = arith.constant 0 : index
    %get3A_204 = vector.load %arg5[%get3A_202, %get3A_203] : memref<6x256xf32, #tpu.memory_space<vmem>>, vector<1x256xf32>
    %get3A_205 = vector.shape_cast %get3A_204 : vector<1x256xf32> to vector<256xf32>
    %broadcast_in_dim3A_206 = vector.shape_cast %get3A_205 : vector<256xf32> to vector<256x1xf32>
    %add3A_207 = vector.broadcast %broadcast_in_dim3A_206 : vector<256x1xf32> to vector<256x2048xf32>
    %add3A_208 = arith.addf %dot_general3A_201, %add3A_207 : vector<256x2048xf32>
    %max3A_209 = arith.constant 0.000000e+00 : f32
    %max3A_210 = vector.broadcast %max3A_209 : f32 to vector<256x2048xf32>
    %max3A_211 = arith.maximumf %add3A_208, %max3A_210 : vector<256x2048xf32>
    %get3A_212 = arith.constant 3 : index
    %get3A_213 = arith.constant 0 : index
    %get3A_214 = arith.constant 0 : index
    %get3A_215 = vector.load %arg4[%get3A_212, %get3A_213, %get3A_214] : memref<6x256x256xf32, #tpu.memory_space<vmem>>, vector<1x256x256xf32>
    %get3A_216 = vector.shape_cast %get3A_215 : vector<1x256x256xf32> to vector<256x256xf32>
    %dot_general3A_217 = arith.constant dense<0.000000e+00> : vector<256x2048xf32>
    %dot_general3A_218 = tpu.matmul %get3A_216, %max3A_211, %dot_general3A_217 {dimension_numbers = #tpu.dot_dimension_numbers<[0], [0], [1], [1], [0, 1, 1, 1], [], []>, transpose_lhs_hint = false} : vector<256x256xf32>, vector<256x2048xf32>, vector<256x2048xf32> -> vector<256x2048xf32>
    %get3A_219 = arith.constant 3 : index
    %get3A_220 = arith.constant 0 : index
    %get3A_221 = vector.load %arg5[%get3A_219, %get3A_220] : memref<6x256xf32, #tpu.memory_space<vmem>>, vector<1x256xf32>
    %get3A_222 = vector.shape_cast %get3A_221 : vector<1x256xf32> to vector<256xf32>
    %broadcast_in_dim3A_223 = vector.shape_cast %get3A_222 : vector<256xf32> to vector<256x1xf32>
    %add3A_224 = vector.broadcast %broadcast_in_dim3A_223 : vector<256x1xf32> to vector<256x2048xf32>
    %add3A_225 = arith.addf %dot_general3A_218, %add3A_224 : vector<256x2048xf32>
    %max3A_226 = arith.constant 0.000000e+00 : f32
    %max3A_227 = vector.broadcast %max3A_226 : f32 to vector<256x2048xf32>
    %max3A_228 = arith.maximumf %add3A_225, %max3A_227 : vector<256x2048xf32>
    %get3A_229 = arith.constant 4 : index
    %get3A_230 = arith.constant 0 : index
    %get3A_231 = arith.constant 0 : index
    %get3A_232 = vector.load %arg4[%get3A_229, %get3A_230, %get3A_231] : memref<6x256x256xf32, #tpu.memory_space<vmem>>, vector<1x256x256xf32>
    %get3A_233 = vector.shape_cast %get3A_232 : vector<1x256x256xf32> to vector<256x256xf32>
    %dot_general3A_234 = arith.constant dense<0.000000e+00> : vector<256x2048xf32>
    %dot_general3A_235 = tpu.matmul %get3A_233, %max3A_228, %dot_general3A_234 {dimension_numbers = #tpu.dot_dimension_numbers<[0], [0], [1], [1], [0, 1, 1, 1], [], []>, transpose_lhs_hint = false} : vector<256x256xf32>, vector<256x2048xf32>, vector<256x2048xf32> -> vector<256x2048xf32>
    %get3A_236 = arith.constant 4 : index
    %get3A_237 = arith.constant 0 : index
    %get3A_238 = vector.load %arg5[%get3A_236, %get3A_237] : memref<6x256xf32, #tpu.memory_space<vmem>>, vector<1x256xf32>
    %get3A_239 = vector.shape_cast %get3A_238 : vector<1x256xf32> to vector<256xf32>
    %broadcast_in_dim3A_240 = vector.shape_cast %get3A_239 : vector<256xf32> to vector<256x1xf32>
    %add3A_241 = vector.broadcast %broadcast_in_dim3A_240 : vector<256x1xf32> to vector<256x2048xf32>
    %add3A_242 = arith.addf %dot_general3A_235, %add3A_241 : vector<256x2048xf32>
    %max3A_243 = arith.constant 0.000000e+00 : f32
    %max3A_244 = vector.broadcast %max3A_243 : f32 to vector<256x2048xf32>
    %max3A_245 = arith.maximumf %add3A_242, %max3A_244 : vector<256x2048xf32>
    %get3A_246 = arith.constant 5 : index
    %get3A_247 = arith.constant 0 : index
    %get3A_248 = arith.constant 0 : index
    %get3A_249 = vector.load %arg4[%get3A_246, %get3A_247, %get3A_248] : memref<6x256x256xf32, #tpu.memory_space<vmem>>, vector<1x256x256xf32>
    %get3A_250 = vector.shape_cast %get3A_249 : vector<1x256x256xf32> to vector<256x256xf32>
    %dot_general3A_251 = arith.constant dense<0.000000e+00> : vector<256x2048xf32>
    %dot_general3A_252 = tpu.matmul %get3A_250, %max3A_245, %dot_general3A_251 {dimension_numbers = #tpu.dot_dimension_numbers<[0], [0], [1], [1], [0, 1, 1, 1], [], []>, transpose_lhs_hint = false} : vector<256x256xf32>, vector<256x2048xf32>, vector<256x2048xf32> -> vector<256x2048xf32>
    %get3A_253 = arith.constant 5 : index
    %get3A_254 = arith.constant 0 : index
    %get3A_255 = vector.load %arg5[%get3A_253, %get3A_254] : memref<6x256xf32, #tpu.memory_space<vmem>>, vector<1x256xf32>
    %get3A_256 = vector.shape_cast %get3A_255 : vector<1x256xf32> to vector<256xf32>
    %broadcast_in_dim3A_257 = vector.shape_cast %get3A_256 : vector<256xf32> to vector<256x1xf32>
    %add3A_258 = vector.broadcast %broadcast_in_dim3A_257 : vector<256x1xf32> to vector<256x2048xf32>
    %add3A_259 = arith.addf %dot_general3A_252, %add3A_258 : vector<256x2048xf32>
    %max3A_260 = arith.constant 0.000000e+00 : f32
    %max3A_261 = vector.broadcast %max3A_260 : f32 to vector<256x2048xf32>
    %max3A_262 = arith.maximumf %add3A_259, %max3A_261 : vector<256x2048xf32>
    %dot_general3A_263 = arith.constant dense<0.000000e+00> : vector<8x2048xf32>
    %dot_general3A_264 = tpu.matmul %get3A_10, %max3A_262, %dot_general3A_263 {dimension_numbers = #tpu.dot_dimension_numbers<[0], [0], [1], [1], [0, 1, 1, 1], [], []>, transpose_lhs_hint = false} : vector<256x8xf32>, vector<256x2048xf32>, vector<8x2048xf32> -> vector<8x2048xf32>
    %broadcast_in_dim3A_265 = vector.shape_cast %get3A_12 : vector<8xf32> to vector<8x1xf32>
    %add3A_266 = vector.broadcast %broadcast_in_dim3A_265 : vector<8x1xf32> to vector<8x2048xf32>
    %add3A_267 = arith.addf %dot_general3A_264, %add3A_266 : vector<8x2048xf32>
    %reduce_max3A_268 = arith.constant dense<0xFF800000> : vector<2048xf32>
    %reduce_max3A_269 = vector.multi_reduction <maximumf>, %add3A_267, %reduce_max3A_268 [0] : vector<8x2048xf32> to vector<2048xf32>
    %broadcast_in_dim3A_270 = vector.shape_cast %reduce_max3A_269 : vector<2048xf32> to vector<1x2048xf32>
    %sub3A_271 = vector.broadcast %broadcast_in_dim3A_270 : vector<1x2048xf32> to vector<8x2048xf32>
    %sub3A_272 = arith.subf %add3A_267, %sub3A_271 : vector<8x2048xf32>
    %exp3A_273 = math.exp %sub3A_272 : vector<8x2048xf32>
    %reduce_sum3A_274 = arith.constant dense<0.000000e+00> : vector<2048xf32>
    %reduce_sum3A_275 = vector.multi_reduction <add>, %exp3A_273, %reduce_sum3A_274 [0] : vector<8x2048xf32> to vector<2048xf32>
    %broadcast_in_dim3A_276 = vector.shape_cast %reduce_sum3A_275 : vector<2048xf32> to vector<1x2048xf32>
    %div3A_277 = vector.broadcast %broadcast_in_dim3A_276 : vector<1x2048xf32> to vector<8x2048xf32>
    %div3A_278 = arith.divf %exp3A_273, %div3A_277 : vector<8x2048xf32>
    %swap3A_279 = arith.constant 0 : index
    %swap3A_280 = arith.constant 2048 : index
    %swap3A_281 = vector.load %arg8[%swap3A_279, %swap3A_280] : memref<8x8192xf32, #tpu.memory_space<vmem>>, vector<8x2048xf32>
    tpu.vector_store %arg8[%swap3A_279, %swap3A_280], %div3A_278 {strides = array<i32>} : memref<8x8192xf32, #tpu.memory_space<vmem>>, vector<8x2048xf32>,
    %get3A_282 = arith.constant 0 : index
    %get3A_283 = arith.constant 4096 : index
    %get3A_284 = vector.load %arg0[%get3A_282, %get3A_283] : memref<3x8192xf32, #tpu.memory_space<vmem>>, vector<3x2048xf32>
    %mul3A_285 = arith.constant 6.28318548 : f32
    %mul3A_286 = vector.broadcast %mul3A_285 : f32 to vector<3x2048xf32>
    %mul3A_287 = arith.mulf %mul3A_286, %get3A_284 : vector<3x2048xf32>
    %sin3A_288 = math.sin %mul3A_287 : vector<3x2048xf32>
    %mul3A_289 = arith.constant 6.28318548 : f32
    %mul3A_290 = vector.broadcast %mul3A_289 : f32 to vector<3x2048xf32>
    %mul3A_291 = arith.mulf %mul3A_290, %get3A_284 : vector<3x2048xf32>
    %cos3A_292 = math.cos %mul3A_291 : vector<3x2048xf32>
    %concatenate3A_293 = tpu.concatenate %get3A_284, %sin3A_288, %cos3A_292, %broadcast_in_dim3A_2 in 0 : vector<3x2048xf32>, vector<3x2048xf32>, vector<3x2048xf32>, vector<2x2048xf32> -> vector<11x2048xf32>
    %dot_general3A_294 = arith.constant dense<0.000000e+00> : vector<256x2048xf32>
    %dot_general3A_295 = tpu.matmul %get3A_5, %concatenate3A_293, %dot_general3A_294 {dimension_numbers = #tpu.dot_dimension_numbers<[0], [0], [1], [1], [0, 1, 1, 1], [], []>, transpose_lhs_hint = false} : vector<11x256xf32>, vector<11x2048xf32>, vector<256x2048xf32> -> vector<256x2048xf32>
    %broadcast_in_dim3A_296 = vector.shape_cast %get3A_7 : vector<256xf32> to vector<256x1xf32>
    %add3A_297 = vector.broadcast %broadcast_in_dim3A_296 : vector<256x1xf32> to vector<256x2048xf32>
    %add3A_298 = arith.addf %dot_general3A_295, %add3A_297 : vector<256x2048xf32>
    %max3A_299 = arith.constant 0.000000e+00 : f32
    %max3A_300 = vector.broadcast %max3A_299 : f32 to vector<256x2048xf32>
    %max3A_301 = arith.maximumf %add3A_298, %max3A_300 : vector<256x2048xf32>
    %get3A_302 = arith.constant 0 : index
    %get3A_303 = arith.constant 0 : index
    %get3A_304 = arith.constant 0 : index
    %get3A_305 = vector.load %arg4[%get3A_302, %get3A_303, %get3A_304] : memref<6x256x256xf32, #tpu.memory_space<vmem>>, vector<1x256x256xf32>
    %get3A_306 = vector.shape_cast %get3A_305 : vector<1x256x256xf32> to vector<256x256xf32>
    %dot_general3A_307 = arith.constant dense<0.000000e+00> : vector<256x2048xf32>
    %dot_general3A_308 = tpu.matmul %get3A_306, %max3A_301, %dot_general3A_307 {dimension_numbers = #tpu.dot_dimension_numbers<[0], [0], [1], [1], [0, 1, 1, 1], [], []>, transpose_lhs_hint = false} : vector<256x256xf32>, vector<256x2048xf32>, vector<256x2048xf32> -> vector<256x2048xf32>
    %get3A_309 = arith.constant 0 : index
    %get3A_310 = arith.constant 0 : index
    %get3A_311 = vector.load %arg5[%get3A_309, %get3A_310] : memref<6x256xf32, #tpu.memory_space<vmem>>, vector<1x256xf32>
    %get3A_312 = vector.shape_cast %get3A_311 : vector<1x256xf32> to vector<256xf32>
    %broadcast_in_dim3A_313 = vector.shape_cast %get3A_312 : vector<256xf32> to vector<256x1xf32>
    %add3A_314 = vector.broadcast %broadcast_in_dim3A_313 : vector<256x1xf32> to vector<256x2048xf32>
    %add3A_315 = arith.addf %dot_general3A_308, %add3A_314 : vector<256x2048xf32>
    %max3A_316 = arith.constant 0.000000e+00 : f32
    %max3A_317 = vector.broadcast %max3A_316 : f32 to vector<256x2048xf32>
    %max3A_318 = arith.maximumf %add3A_315, %max3A_317 : vector<256x2048xf32>
    %get3A_319 = arith.constant 1 : index
    %get3A_320 = arith.constant 0 : index
    %get3A_321 = arith.constant 0 : index
    %get3A_322 = vector.load %arg4[%get3A_319, %get3A_320, %get3A_321] : memref<6x256x256xf32, #tpu.memory_space<vmem>>, vector<1x256x256xf32>
    %get3A_323 = vector.shape_cast %get3A_322 : vector<1x256x256xf32> to vector<256x256xf32>
    %dot_general3A_324 = arith.constant dense<0.000000e+00> : vector<256x2048xf32>
    %dot_general3A_325 = tpu.matmul %get3A_323, %max3A_318, %dot_general3A_324 {dimension_numbers = #tpu.dot_dimension_numbers<[0], [0], [1], [1], [0, 1, 1, 1], [], []>, transpose_lhs_hint = false} : vector<256x256xf32>, vector<256x2048xf32>, vector<256x2048xf32> -> vector<256x2048xf32>
    %get3A_326 = arith.constant 1 : index
    %get3A_327 = arith.constant 0 : index
    %get3A_328 = vector.load %arg5[%get3A_326, %get3A_327] : memref<6x256xf32, #tpu.memory_space<vmem>>, vector<1x256xf32>
    %get3A_329 = vector.shape_cast %get3A_328 : vector<1x256xf32> to vector<256xf32>
    %broadcast_in_dim3A_330 = vector.shape_cast %get3A_329 : vector<256xf32> to vector<256x1xf32>
    %add3A_331 = vector.broadcast %broadcast_in_dim3A_330 : vector<256x1xf32> to vector<256x2048xf32>
    %add3A_332 = arith.addf %dot_general3A_325, %add3A_331 : vector<256x2048xf32>
    %max3A_333 = arith.constant 0.000000e+00 : f32
    %max3A_334 = vector.broadcast %max3A_333 : f32 to vector<256x2048xf32>
    %max3A_335 = arith.maximumf %add3A_332, %max3A_334 : vector<256x2048xf32>
    %get3A_336 = arith.constant 2 : index
    %get3A_337 = arith.constant 0 : index
    %get3A_338 = arith.constant 0 : index
    %get3A_339 = vector.load %arg4[%get3A_336, %get3A_337, %get3A_338] : memref<6x256x256xf32, #tpu.memory_space<vmem>>, vector<1x256x256xf32>
    %get3A_340 = vector.shape_cast %get3A_339 : vector<1x256x256xf32> to vector<256x256xf32>
    %dot_general3A_341 = arith.constant dense<0.000000e+00> : vector<256x2048xf32>
    %dot_general3A_342 = tpu.matmul %get3A_340, %max3A_335, %dot_general3A_341 {dimension_numbers = #tpu.dot_dimension_numbers<[0], [0], [1], [1], [0, 1, 1, 1], [], []>, transpose_lhs_hint = false} : vector<256x256xf32>, vector<256x2048xf32>, vector<256x2048xf32> -> vector<256x2048xf32>
    %get3A_343 = arith.constant 2 : index
    %get3A_344 = arith.constant 0 : index
    %get3A_345 = vector.load %arg5[%get3A_343, %get3A_344] : memref<6x256xf32, #tpu.memory_space<vmem>>, vector<1x256xf32>
    %get3A_346 = vector.shape_cast %get3A_345 : vector<1x256xf32> to vector<256xf32>
    %broadcast_in_dim3A_347 = vector.shape_cast %get3A_346 : vector<256xf32> to vector<256x1xf32>
    %add3A_348 = vector.broadcast %broadcast_in_dim3A_347 : vector<256x1xf32> to vector<256x2048xf32>
    %add3A_349 = arith.addf %dot_general3A_342, %add3A_348 : vector<256x2048xf32>
    %max3A_350 = arith.constant 0.000000e+00 : f32
    %max3A_351 = vector.broadcast %max3A_350 : f32 to vector<256x2048xf32>
    %max3A_352 = arith.maximumf %add3A_349, %max3A_351 : vector<256x2048xf32>
    %get3A_353 = arith.constant 3 : index
    %get3A_354 = arith.constant 0 : index
    %get3A_355 = arith.constant 0 : index
    %get3A_356 = vector.load %arg4[%get3A_353, %get3A_354, %get3A_355] : memref<6x256x256xf32, #tpu.memory_space<vmem>>, vector<1x256x256xf32>
    %get3A_357 = vector.shape_cast %get3A_356 : vector<1x256x256xf32> to vector<256x256xf32>
    %dot_general3A_358 = arith.constant dense<0.000000e+00> : vector<256x2048xf32>
    %dot_general3A_359 = tpu.matmul %get3A_357, %max3A_352, %dot_general3A_358 {dimension_numbers = #tpu.dot_dimension_numbers<[0], [0], [1], [1], [0, 1, 1, 1], [], []>, transpose_lhs_hint = false} : vector<256x256xf32>, vector<256x2048xf32>, vector<256x2048xf32> -> vector<256x2048xf32>
    %get3A_360 = arith.constant 3 : index
    %get3A_361 = arith.constant 0 : index
    %get3A_362 = vector.load %arg5[%get3A_360, %get3A_361] : memref<6x256xf32, #tpu.memory_space<vmem>>, vector<1x256xf32>
    %get3A_363 = vector.shape_cast %get3A_362 : vector<1x256xf32> to vector<256xf32>
    %broadcast_in_dim3A_364 = vector.shape_cast %get3A_363 : vector<256xf32> to vector<256x1xf32>
    %add3A_365 = vector.broadcast %broadcast_in_dim3A_364 : vector<256x1xf32> to vector<256x2048xf32>
    %add3A_366 = arith.addf %dot_general3A_359, %add3A_365 : vector<256x2048xf32>
    %max3A_367 = arith.constant 0.000000e+00 : f32
    %max3A_368 = vector.broadcast %max3A_367 : f32 to vector<256x2048xf32>
    %max3A_369 = arith.maximumf %add3A_366, %max3A_368 : vector<256x2048xf32>
    %get3A_370 = arith.constant 4 : index
    %get3A_371 = arith.constant 0 : index
    %get3A_372 = arith.constant 0 : index
    %get3A_373 = vector.load %arg4[%get3A_370, %get3A_371, %get3A_372] : memref<6x256x256xf32, #tpu.memory_space<vmem>>, vector<1x256x256xf32>
    %get3A_374 = vector.shape_cast %get3A_373 : vector<1x256x256xf32> to vector<256x256xf32>
    %dot_general3A_375 = arith.constant dense<0.000000e+00> : vector<256x2048xf32>
    %dot_general3A_376 = tpu.matmul %get3A_374, %max3A_369, %dot_general3A_375 {dimension_numbers = #tpu.dot_dimension_numbers<[0], [0], [1], [1], [0, 1, 1, 1], [], []>, transpose_lhs_hint = false} : vector<256x256xf32>, vector<256x2048xf32>, vector<256x2048xf32> -> vector<256x2048xf32>
    %get3A_377 = arith.constant 4 : index
    %get3A_378 = arith.constant 0 : index
    %get3A_379 = vector.load %arg5[%get3A_377, %get3A_378] : memref<6x256xf32, #tpu.memory_space<vmem>>, vector<1x256xf32>
    %get3A_380 = vector.shape_cast %get3A_379 : vector<1x256xf32> to vector<256xf32>
    %broadcast_in_dim3A_381 = vector.shape_cast %get3A_380 : vector<256xf32> to vector<256x1xf32>
    %add3A_382 = vector.broadcast %broadcast_in_dim3A_381 : vector<256x1xf32> to vector<256x2048xf32>
    %add3A_383 = arith.addf %dot_general3A_376, %add3A_382 : vector<256x2048xf32>
    %max3A_384 = arith.constant 0.000000e+00 : f32
    %max3A_385 = vector.broadcast %max3A_384 : f32 to vector<256x2048xf32>
    %max3A_386 = arith.maximumf %add3A_383, %max3A_385 : vector<256x2048xf32>
    %get3A_387 = arith.constant 5 : index
    %get3A_388 = arith.constant 0 : index
    %get3A_389 = arith.constant 0 : index
    %get3A_390 = vector.load %arg4[%get3A_387, %get3A_388, %get3A_389] : memref<6x256x256xf32, #tpu.memory_space<vmem>>, vector<1x256x256xf32>
    %get3A_391 = vector.shape_cast %get3A_390 : vector<1x256x256xf32> to vector<256x256xf32>
    %dot_general3A_392 = arith.constant dense<0.000000e+00> : vector<256x2048xf32>
    %dot_general3A_393 = tpu.matmul %get3A_391, %max3A_386, %dot_general3A_392 {dimension_numbers = #tpu.dot_dimension_numbers<[0], [0], [1], [1], [0, 1, 1, 1], [], []>, transpose_lhs_hint = false} : vector<256x256xf32>, vector<256x2048xf32>, vector<256x2048xf32> -> vector<256x2048xf32>
    %get3A_394 = arith.constant 5 : index
    %get3A_395 = arith.constant 0 : index
    %get3A_396 = vector.load %arg5[%get3A_394, %get3A_395] : memref<6x256xf32, #tpu.memory_space<vmem>>, vector<1x256xf32>
    %get3A_397 = vector.shape_cast %get3A_396 : vector<1x256xf32> to vector<256xf32>
    %broadcast_in_dim3A_398 = vector.shape_cast %get3A_397 : vector<256xf32> to vector<256x1xf32>
    %add3A_399 = vector.broadcast %broadcast_in_dim3A_398 : vector<256x1xf32> to vector<256x2048xf32>
    %add3A_400 = arith.addf %dot_general3A_393, %add3A_399 : vector<256x2048xf32>
    %max3A_401 = arith.constant 0.000000e+00 : f32
    %max3A_402 = vector.broadcast %max3A_401 : f32 to vector<256x2048xf32>
    %max3A_403 = arith.maximumf %add3A_400, %max3A_402 : vector<256x2048xf32>
    %dot_general3A_404 = arith.constant dense<0.000000e+00> : vector<8x2048xf32>
    %dot_general3A_405 = tpu.matmul %get3A_10, %max3A_403, %dot_general3A_404 {dimension_numbers = #tpu.dot_dimension_numbers<[0], [0], [1], [1], [0, 1, 1, 1], [], []>, transpose_lhs_hint = false} : vector<256x8xf32>, vector<256x2048xf32>, vector<8x2048xf32> -> vector<8x2048xf32>
    %broadcast_in_dim3A_406 = vector.shape_cast %get3A_12 : vector<8xf32> to vector<8x1xf32>
    %add3A_407 = vector.broadcast %broadcast_in_dim3A_406 : vector<8x1xf32> to vector<8x2048xf32>
    %add3A_408 = arith.addf %dot_general3A_405, %add3A_407 : vector<8x2048xf32>
    %reduce_max3A_409 = arith.constant dense<0xFF800000> : vector<2048xf32>
    %reduce_max3A_410 = vector.multi_reduction <maximumf>, %add3A_408, %reduce_max3A_409 [0] : vector<8x2048xf32> to vector<2048xf32>
    %broadcast_in_dim3A_411 = vector.shape_cast %reduce_max3A_410 : vector<2048xf32> to vector<1x2048xf32>
    %sub3A_412 = vector.broadcast %broadcast_in_dim3A_411 : vector<1x2048xf32> to vector<8x2048xf32>
    %sub3A_413 = arith.subf %add3A_408, %sub3A_412 : vector<8x2048xf32>
    %exp3A_414 = math.exp %sub3A_413 : vector<8x2048xf32>
    %reduce_sum3A_415 = arith.constant dense<0.000000e+00> : vector<2048xf32>
    %reduce_sum3A_416 = vector.multi_reduction <add>, %exp3A_414, %reduce_sum3A_415 [0] : vector<8x2048xf32> to vector<2048xf32>
    %broadcast_in_dim3A_417 = vector.shape_cast %reduce_sum3A_416 : vector<2048xf32> to vector<1x2048xf32>
    %div3A_418 = vector.broadcast %broadcast_in_dim3A_417 : vector<1x2048xf32> to vector<8x2048xf32>
    %div3A_419 = arith.divf %exp3A_414, %div3A_418 : vector<8x2048xf32>
    %swap3A_420 = arith.constant 0 : index
    %swap3A_421 = arith.constant 4096 : index
    %swap3A_422 = vector.load %arg8[%swap3A_420, %swap3A_421] : memref<8x8192xf32, #tpu.memory_space<vmem>>, vector<8x2048xf32>
    tpu.vector_store %arg8[%swap3A_420, %swap3A_421], %div3A_419 {strides = array<i32>} : memref<8x8192xf32, #tpu.memory_space<vmem>>, vector<8x2048xf32>,
    %get3A_423 = arith.constant 0 : index
    %get3A_424 = arith.constant 6144 : index
    %get3A_425 = vector.load %arg0[%get3A_423, %get3A_424] : memref<3x8192xf32, #tpu.memory_space<vmem>>, vector<3x2048xf32>
    %mul3A_426 = arith.constant 6.28318548 : f32
    %mul3A_427 = vector.broadcast %mul3A_426 : f32 to vector<3x2048xf32>
    %mul3A_428 = arith.mulf %mul3A_427, %get3A_425 : vector<3x2048xf32>
    %sin3A_429 = math.sin %mul3A_428 : vector<3x2048xf32>
    %mul3A_430 = arith.constant 6.28318548 : f32
    %mul3A_431 = vector.broadcast %mul3A_430 : f32 to vector<3x2048xf32>
    %mul3A_432 = arith.mulf %mul3A_431, %get3A_425 : vector<3x2048xf32>
    %cos3A_433 = math.cos %mul3A_432 : vector<3x2048xf32>
    %concatenate3A_434 = tpu.concatenate %get3A_425, %sin3A_429, %cos3A_433, %broadcast_in_dim3A_2 in 0 : vector<3x2048xf32>, vector<3x2048xf32>, vector<3x2048xf32>, vector<2x2048xf32> -> vector<11x2048xf32>
    %dot_general3A_435 = arith.constant dense<0.000000e+00> : vector<256x2048xf32>
    %dot_general3A_436 = tpu.matmul %get3A_5, %concatenate3A_434, %dot_general3A_435 {dimension_numbers = #tpu.dot_dimension_numbers<[0], [0], [1], [1], [0, 1, 1, 1], [], []>, transpose_lhs_hint = false} : vector<11x256xf32>, vector<11x2048xf32>, vector<256x2048xf32> -> vector<256x2048xf32>
    %broadcast_in_dim3A_437 = vector.shape_cast %get3A_7 : vector<256xf32> to vector<256x1xf32>
    %add3A_438 = vector.broadcast %broadcast_in_dim3A_437 : vector<256x1xf32> to vector<256x2048xf32>
    %add3A_439 = arith.addf %dot_general3A_436, %add3A_438 : vector<256x2048xf32>
    %max3A_440 = arith.constant 0.000000e+00 : f32
    %max3A_441 = vector.broadcast %max3A_440 : f32 to vector<256x2048xf32>
    %max3A_442 = arith.maximumf %add3A_439, %max3A_441 : vector<256x2048xf32>
    %get3A_443 = arith.constant 0 : index
    %get3A_444 = arith.constant 0 : index
    %get3A_445 = arith.constant 0 : index
    %get3A_446 = vector.load %arg4[%get3A_443, %get3A_444, %get3A_445] : memref<6x256x256xf32, #tpu.memory_space<vmem>>, vector<1x256x256xf32>
    %get3A_447 = vector.shape_cast %get3A_446 : vector<1x256x256xf32> to vector<256x256xf32>
    %dot_general3A_448 = arith.constant dense<0.000000e+00> : vector<256x2048xf32>
    %dot_general3A_449 = tpu.matmul %get3A_447, %max3A_442, %dot_general3A_448 {dimension_numbers = #tpu.dot_dimension_numbers<[0], [0], [1], [1], [0, 1, 1, 1], [], []>, transpose_lhs_hint = false} : vector<256x256xf32>, vector<256x2048xf32>, vector<256x2048xf32> -> vector<256x2048xf32>
    %get3A_450 = arith.constant 0 : index
    %get3A_451 = arith.constant 0 : index
    %get3A_452 = vector.load %arg5[%get3A_450, %get3A_451] : memref<6x256xf32, #tpu.memory_space<vmem>>, vector<1x256xf32>
    %get3A_453 = vector.shape_cast %get3A_452 : vector<1x256xf32> to vector<256xf32>
    %broadcast_in_dim3A_454 = vector.shape_cast %get3A_453 : vector<256xf32> to vector<256x1xf32>
    %add3A_455 = vector.broadcast %broadcast_in_dim3A_454 : vector<256x1xf32> to vector<256x2048xf32>
    %add3A_456 = arith.addf %dot_general3A_449, %add3A_455 : vector<256x2048xf32>
    %max3A_457 = arith.constant 0.000000e+00 : f32
    %max3A_458 = vector.broadcast %max3A_457 : f32 to vector<256x2048xf32>
    %max3A_459 = arith.maximumf %add3A_456, %max3A_458 : vector<256x2048xf32>
    %get3A_460 = arith.constant 1 : index
    %get3A_461 = arith.constant 0 : index
    %get3A_462 = arith.constant 0 : index
    %get3A_463 = vector.load %arg4[%get3A_460, %get3A_461, %get3A_462] : memref<6x256x256xf32, #tpu.memory_space<vmem>>, vector<1x256x256xf32>
    %get3A_464 = vector.shape_cast %get3A_463 : vector<1x256x256xf32> to vector<256x256xf32>
    %dot_general3A_465 = arith.constant dense<0.000000e+00> : vector<256x2048xf32>
    %dot_general3A_466 = tpu.matmul %get3A_464, %max3A_459, %dot_general3A_465 {dimension_numbers = #tpu.dot_dimension_numbers<[0], [0], [1], [1], [0, 1, 1, 1], [], []>, transpose_lhs_hint = false} : vector<256x256xf32>, vector<256x2048xf32>, vector<256x2048xf32> -> vector<256x2048xf32>
    %get3A_467 = arith.constant 1 : index
    %get3A_468 = arith.constant 0 : index
    %get3A_469 = vector.load %arg5[%get3A_467, %get3A_468] : memref<6x256xf32, #tpu.memory_space<vmem>>, vector<1x256xf32>
    %get3A_470 = vector.shape_cast %get3A_469 : vector<1x256xf32> to vector<256xf32>
    %broadcast_in_dim3A_471 = vector.shape_cast %get3A_470 : vector<256xf32> to vector<256x1xf32>
    %add3A_472 = vector.broadcast %broadcast_in_dim3A_471 : vector<256x1xf32> to vector<256x2048xf32>
    %add3A_473 = arith.addf %dot_general3A_466, %add3A_472 : vector<256x2048xf32>
    %max3A_474 = arith.constant 0.000000e+00 : f32
    %max3A_475 = vector.broadcast %max3A_474 : f32 to vector<256x2048xf32>
    %max3A_476 = arith.maximumf %add3A_473, %max3A_475 : vector<256x2048xf32>
    %get3A_477 = arith.constant 2 : index
    %get3A_478 = arith.constant 0 : index
    %get3A_479 = arith.constant 0 : index
    %get3A_480 = vector.load %arg4[%get3A_477, %get3A_478, %get3A_479] : memref<6x256x256xf32, #tpu.memory_space<vmem>>, vector<1x256x256xf32>
    %get3A_481 = vector.shape_cast %get3A_480 : vector<1x256x256xf32> to vector<256x256xf32>
    %dot_general3A_482 = arith.constant dense<0.000000e+00> : vector<256x2048xf32>
    %dot_general3A_483 = tpu.matmul %get3A_481, %max3A_476, %dot_general3A_482 {dimension_numbers = #tpu.dot_dimension_numbers<[0], [0], [1], [1], [0, 1, 1, 1], [], []>, transpose_lhs_hint = false} : vector<256x256xf32>, vector<256x2048xf32>, vector<256x2048xf32> -> vector<256x2048xf32>
    %get3A_484 = arith.constant 2 : index
    %get3A_485 = arith.constant 0 : index
    %get3A_486 = vector.load %arg5[%get3A_484, %get3A_485] : memref<6x256xf32, #tpu.memory_space<vmem>>, vector<1x256xf32>
    %get3A_487 = vector.shape_cast %get3A_486 : vector<1x256xf32> to vector<256xf32>
    %broadcast_in_dim3A_488 = vector.shape_cast %get3A_487 : vector<256xf32> to vector<256x1xf32>
    %add3A_489 = vector.broadcast %broadcast_in_dim3A_488 : vector<256x1xf32> to vector<256x2048xf32>
    %add3A_490 = arith.addf %dot_general3A_483, %add3A_489 : vector<256x2048xf32>
    %max3A_491 = arith.constant 0.000000e+00 : f32
    %max3A_492 = vector.broadcast %max3A_491 : f32 to vector<256x2048xf32>
    %max3A_493 = arith.maximumf %add3A_490, %max3A_492 : vector<256x2048xf32>
    %get3A_494 = arith.constant 3 : index
    %get3A_495 = arith.constant 0 : index
    %get3A_496 = arith.constant 0 : index
    %get3A_497 = vector.load %arg4[%get3A_494, %get3A_495, %get3A_496] : memref<6x256x256xf32, #tpu.memory_space<vmem>>, vector<1x256x256xf32>
    %get3A_498 = vector.shape_cast %get3A_497 : vector<1x256x256xf32> to vector<256x256xf32>
    %dot_general3A_499 = arith.constant dense<0.000000e+00> : vector<256x2048xf32>
    %dot_general3A_500 = tpu.matmul %get3A_498, %max3A_493, %dot_general3A_499 {dimension_numbers = #tpu.dot_dimension_numbers<[0], [0], [1], [1], [0, 1, 1, 1], [], []>, transpose_lhs_hint = false} : vector<256x256xf32>, vector<256x2048xf32>, vector<256x2048xf32> -> vector<256x2048xf32>
    %get3A_501 = arith.constant 3 : index
    %get3A_502 = arith.constant 0 : index
    %get3A_503 = vector.load %arg5[%get3A_501, %get3A_502] : memref<6x256xf32, #tpu.memory_space<vmem>>, vector<1x256xf32>
    %get3A_504 = vector.shape_cast %get3A_503 : vector<1x256xf32> to vector<256xf32>
    %broadcast_in_dim3A_505 = vector.shape_cast %get3A_504 : vector<256xf32> to vector<256x1xf32>
    %add3A_506 = vector.broadcast %broadcast_in_dim3A_505 : vector<256x1xf32> to vector<256x2048xf32>
    %add3A_507 = arith.addf %dot_general3A_500, %add3A_506 : vector<256x2048xf32>
    %max3A_508 = arith.constant 0.000000e+00 : f32
    %max3A_509 = vector.broadcast %max3A_508 : f32 to vector<256x2048xf32>
    %max3A_510 = arith.maximumf %add3A_507, %max3A_509 : vector<256x2048xf32>
    %get3A_511 = arith.constant 4 : index
    %get3A_512 = arith.constant 0 : index
    %get3A_513 = arith.constant 0 : index
    %get3A_514 = vector.load %arg4[%get3A_511, %get3A_512, %get3A_513] : memref<6x256x256xf32, #tpu.memory_space<vmem>>, vector<1x256x256xf32>
    %get3A_515 = vector.shape_cast %get3A_514 : vector<1x256x256xf32> to vector<256x256xf32>
    %dot_general3A_516 = arith.constant dense<0.000000e+00> : vector<256x2048xf32>
    %dot_general3A_517 = tpu.matmul %get3A_515, %max3A_510, %dot_general3A_516 {dimension_numbers = #tpu.dot_dimension_numbers<[0], [0], [1], [1], [0, 1, 1, 1], [], []>, transpose_lhs_hint = false} : vector<256x256xf32>, vector<256x2048xf32>, vector<256x2048xf32> -> vector<256x2048xf32>
    %get3A_518 = arith.constant 4 : index
    %get3A_519 = arith.constant 0 : index
    %get3A_520 = vector.load %arg5[%get3A_518, %get3A_519] : memref<6x256xf32, #tpu.memory_space<vmem>>, vector<1x256xf32>
    %get3A_521 = vector.shape_cast %get3A_520 : vector<1x256xf32> to vector<256xf32>
    %broadcast_in_dim3A_522 = vector.shape_cast %get3A_521 : vector<256xf32> to vector<256x1xf32>
    %add3A_523 = vector.broadcast %broadcast_in_dim3A_522 : vector<256x1xf32> to vector<256x2048xf32>
    %add3A_524 = arith.addf %dot_general3A_517, %add3A_523 : vector<256x2048xf32>
    %max3A_525 = arith.constant 0.000000e+00 : f32
    %max3A_526 = vector.broadcast %max3A_525 : f32 to vector<256x2048xf32>
    %max3A_527 = arith.maximumf %add3A_524, %max3A_526 : vector<256x2048xf32>
    %get3A_528 = arith.constant 5 : index
    %get3A_529 = arith.constant 0 : index
    %get3A_530 = arith.constant 0 : index
    %get3A_531 = vector.load %arg4[%get3A_528, %get3A_529, %get3A_530] : memref<6x256x256xf32, #tpu.memory_space<vmem>>, vector<1x256x256xf32>
    %get3A_532 = vector.shape_cast %get3A_531 : vector<1x256x256xf32> to vector<256x256xf32>
    %dot_general3A_533 = arith.constant dense<0.000000e+00> : vector<256x2048xf32>
    %dot_general3A_534 = tpu.matmul %get3A_532, %max3A_527, %dot_general3A_533 {dimension_numbers = #tpu.dot_dimension_numbers<[0], [0], [1], [1], [0, 1, 1, 1], [], []>, transpose_lhs_hint = false} : vector<256x256xf32>, vector<256x2048xf32>, vector<256x2048xf32> -> vector<256x2048xf32>
    %get3A_535 = arith.constant 5 : index
    %get3A_536 = arith.constant 0 : index
    %get3A_537 = vector.load %arg5[%get3A_535, %get3A_536] : memref<6x256xf32, #tpu.memory_space<vmem>>, vector<1x256xf32>
    %get3A_538 = vector.shape_cast %get3A_537 : vector<1x256xf32> to vector<256xf32>
    %broadcast_in_dim3A_539 = vector.shape_cast %get3A_538 : vector<256xf32> to vector<256x1xf32>
    %add3A_540 = vector.broadcast %broadcast_in_dim3A_539 : vector<256x1xf32> to vector<256x2048xf32>
    %add3A_541 = arith.addf %dot_general3A_534, %add3A_540 : vector<256x2048xf32>
    %max3A_542 = arith.constant 0.000000e+00 : f32
    %max3A_543 = vector.broadcast %max3A_542 : f32 to vector<256x2048xf32>
    %max3A_544 = arith.maximumf %add3A_541, %max3A_543 : vector<256x2048xf32>
    %dot_general3A_545 = arith.constant dense<0.000000e+00> : vector<8x2048xf32>
    %dot_general3A_546 = tpu.matmul %get3A_10, %max3A_544, %dot_general3A_545 {dimension_numbers = #tpu.dot_dimension_numbers<[0], [0], [1], [1], [0, 1, 1, 1], [], []>, transpose_lhs_hint = false} : vector<256x8xf32>, vector<256x2048xf32>, vector<8x2048xf32> -> vector<8x2048xf32>
    %broadcast_in_dim3A_547 = vector.shape_cast %get3A_12 : vector<8xf32> to vector<8x1xf32>
    %add3A_548 = vector.broadcast %broadcast_in_dim3A_547 : vector<8x1xf32> to vector<8x2048xf32>
    %add3A_549 = arith.addf %dot_general3A_546, %add3A_548 : vector<8x2048xf32>
    %reduce_max3A_550 = arith.constant dense<0xFF800000> : vector<2048xf32>
    %reduce_max3A_551 = vector.multi_reduction <maximumf>, %add3A_549, %reduce_max3A_550 [0] : vector<8x2048xf32> to vector<2048xf32>
    %broadcast_in_dim3A_552 = vector.shape_cast %reduce_max3A_551 : vector<2048xf32> to vector<1x2048xf32>
    %sub3A_553 = vector.broadcast %broadcast_in_dim3A_552 : vector<1x2048xf32> to vector<8x2048xf32>
    %sub3A_554 = arith.subf %add3A_549, %sub3A_553 : vector<8x2048xf32>
    %exp3A_555 = math.exp %sub3A_554 : vector<8x2048xf32>
    %reduce_sum3A_556 = arith.constant dense<0.000000e+00> : vector<2048xf32>
    %reduce_sum3A_557 = vector.multi_reduction <add>, %exp3A_555, %reduce_sum3A_556 [0] : vector<8x2048xf32> to vector<2048xf32>
    %broadcast_in_dim3A_558 = vector.shape_cast %reduce_sum3A_557 : vector<2048xf32> to vector<1x2048xf32>
    %div3A_559 = vector.broadcast %broadcast_in_dim3A_558 : vector<1x2048xf32> to vector<8x2048xf32>
    %div3A_560 = arith.divf %exp3A_555, %div3A_559 : vector<8x2048xf32>
    %swap3A_561 = arith.constant 0 : index
    %swap3A_562 = arith.constant 6144 : index
    %swap3A_563 = vector.load %arg8[%swap3A_561, %swap3A_562] : memref<8x8192xf32, #tpu.memory_space<vmem>>, vector<8x2048xf32>
    tpu.vector_store %arg8[%swap3A_561, %swap3A_562], %div3A_560 {strides = array<i32>} : memref<8x8192xf32, #tpu.memory_space<vmem>>, vector<8x2048xf32>,
    %get3A_564 = arith.constant 0 : index
    %get3A_565 = arith.constant 0 : index
    %get3A_566 = vector.load %arg8[%get3A_564, %get3A_565] : memref<8x8192xf32, #tpu.memory_space<vmem>>, vector<8x8192xf32>
    %reduce_max3A_567 = arith.constant dense<0xFF800000> : vector<8192xf32>
    %reduce_max3A_568 = vector.multi_reduction <maximumf>, %get3A_566, %reduce_max3A_567 [0] : vector<8x8192xf32> to vector<8192xf32>
    %broadcast_in_dim3A_569 = vector.shape_cast %reduce_max3A_568 : vector<8192xf32> to vector<1x8192xf32>
    %iota3A = tpu.iota {dimensions = array<i32: 0>} : vector<8x8192xi32>
    %eq3A = vector.broadcast %broadcast_in_dim3A_569 : vector<1x8192xf32> to vector<8x8192xf32>
    %eq3A_570 = arith.cmpf oeq, %get3A_566, %eq3A : vector<8x8192xf32>
    %jit3A = arith.constant 8 : i32
    %broadcast_in_dim3A_571 = vector.broadcast %jit3A : i32 to vector<8x8192xi32>
    %select_n3A = arith.select %eq3A_570, %iota3A, %broadcast_in_dim3A_571 : vector<8x8192xi1>, vector<8x8192xi32>
    %reduce_min3A = arith.constant dense<2147483647> : vector<8192xi32>
    %reduce_min3A_572 = vector.multi_reduction <minsi>, %select_n3A, %reduce_min3A [0] : vector<8x8192xi32> to vector<8192xi32>
    %broadcast_in_dim3A_573 = vector.shape_cast %reduce_min3A_572 : vector<8192xi32> to vector<1x8192xi32>
    %eq3A_574 = vector.broadcast %broadcast_in_dim3A_573 : vector<1x8192xi32> to vector<8x8192xi32>
    %eq3A_575 = arith.cmpi eq, %iota3A, %eq3A_574 : vector<8x8192xi32>
    %convert_element_type3A = arith.extui %eq3A_575 : vector<8x8192xi1> to vector<8x8192xi32>
    %broadcast_in_dim3A_576 = arith.constant 0 : i32
    %broadcast_in_dim3A_577 = vector.broadcast %broadcast_in_dim3A_576 : i32 to vector<8x1xi32>
    %slice3A = vector.extract_strided_slice %convert_element_type3A {offsets = [0, 0], sizes = [8, 8191], strides = [1, 1]} : vector<8x8192xi32> to vector<8x8191xi32>
    %concatenate3A_578 = tpu.concatenate %broadcast_in_dim3A_577, %slice3A in 1 : vector<8x1xi32>, vector<8x8191xi32> -> vector<8x8192xi32>
    %add3A_579 = arith.addi %convert_element_type3A, %concatenate3A_578 : vector<8x8192xi32>
    %broadcast_in_dim3A_580 = arith.constant 0 : i32
    %broadcast_in_dim3A_581 = vector.broadcast %broadcast_in_dim3A_580 : i32 to vector<8x2xi32>
    %slice3A_582 = vector.extract_strided_slice %add3A_579 {offsets = [0, 0], sizes = [8, 8190], strides = [1, 1]} : vector<8x8192xi32> to vector<8x8190xi32>
    %concatenate3A_583 = tpu.concatenate %broadcast_in_dim3A_581, %slice3A_582 in 1 : vector<8x2xi32>, vector<8x8190xi32> -> vector<8x8192xi32>
    %add3A_584 = arith.addi %add3A_579, %concatenate3A_583 : vector<8x8192xi32>
    %broadcast_in_dim3A_585 = arith.constant 0 : i32
    %broadcast_in_dim3A_586 = vector.broadcast %broadcast_in_dim3A_585 : i32 to vector<8x4xi32>
    %slice3A_587 = vector.extract_strided_slice %add3A_584 {offsets = [0, 0], sizes = [8, 8188], strides = [1, 1]} : vector<8x8192xi32> to vector<8x8188xi32>
    %concatenate3A_588 = tpu.concatenate %broadcast_in_dim3A_586, %slice3A_587 in 1 : vector<8x4xi32>, vector<8x8188xi32> -> vector<8x8192xi32>
    %add3A_589 = arith.addi %add3A_584, %concatenate3A_588 : vector<8x8192xi32>
    %broadcast_in_dim3A_590 = arith.constant 0 : i32
    %broadcast_in_dim3A_591 = vector.broadcast %broadcast_in_dim3A_590 : i32 to vector<8x8xi32>
    %slice3A_592 = vector.extract_strided_slice %add3A_589 {offsets = [0, 0], sizes = [8, 8184], strides = [1, 1]} : vector<8x8192xi32> to vector<8x8184xi32>
    %concatenate3A_593 = tpu.concatenate %broadcast_in_dim3A_591, %slice3A_592 in 1 : vector<8x8xi32>, vector<8x8184xi32> -> vector<8x8192xi32>
    %add3A_594 = arith.addi %add3A_589, %concatenate3A_593 : vector<8x8192xi32>
    %broadcast_in_dim3A_595 = arith.constant 0 : i32
    %broadcast_in_dim3A_596 = vector.broadcast %broadcast_in_dim3A_595 : i32 to vector<8x16xi32>
    %slice3A_597 = vector.extract_strided_slice %add3A_594 {offsets = [0, 0], sizes = [8, 8176], strides = [1, 1]} : vector<8x8192xi32> to vector<8x8176xi32>
    %concatenate3A_598 = tpu.concatenate %broadcast_in_dim3A_596, %slice3A_597 in 1 : vector<8x16xi32>, vector<8x8176xi32> -> vector<8x8192xi32>
    %add3A_599 = arith.addi %add3A_594, %concatenate3A_598 : vector<8x8192xi32>
    %broadcast_in_dim3A_600 = arith.constant 0 : i32
    %broadcast_in_dim3A_601 = vector.broadcast %broadcast_in_dim3A_600 : i32 to vector<8x32xi32>
    %slice3A_602 = vector.extract_strided_slice %add3A_599 {offsets = [0, 0], sizes = [8, 8160], strides = [1, 1]} : vector<8x8192xi32> to vector<8x8160xi32>
    %concatenate3A_603 = tpu.concatenate %broadcast_in_dim3A_601, %slice3A_602 in 1 : vector<8x32xi32>, vector<8x8160xi32> -> vector<8x8192xi32>
    %add3A_604 = arith.addi %add3A_599, %concatenate3A_603 : vector<8x8192xi32>
    %broadcast_in_dim3A_605 = arith.constant 0 : i32
    %broadcast_in_dim3A_606 = vector.broadcast %broadcast_in_dim3A_605 : i32 to vector<8x64xi32>
    %slice3A_607 = vector.extract_strided_slice %add3A_604 {offsets = [0, 0], sizes = [8, 8128], strides = [1, 1]} : vector<8x8192xi32> to vector<8x8128xi32>
    %concatenate3A_608 = tpu.concatenate %broadcast_in_dim3A_606, %slice3A_607 in 1 : vector<8x64xi32>, vector<8x8128xi32> -> vector<8x8192xi32>
    %add3A_609 = arith.addi %add3A_604, %concatenate3A_608 : vector<8x8192xi32>
    %broadcast_in_dim3A_610 = arith.constant 0 : i32
    %broadcast_in_dim3A_611 = vector.broadcast %broadcast_in_dim3A_610 : i32 to vector<8x128xi32>
    %slice3A_612 = vector.extract_strided_slice %add3A_609 {offsets = [0, 0], sizes = [8, 8064], strides = [1, 1]} : vector<8x8192xi32> to vector<8x8064xi32>
    %concatenate3A_613 = tpu.concatenate %broadcast_in_dim3A_611, %slice3A_612 in 1 : vector<8x128xi32>, vector<8x8064xi32> -> vector<8x8192xi32>
    %add3A_614 = arith.addi %add3A_609, %concatenate3A_613 : vector<8x8192xi32>
    %broadcast_in_dim3A_615 = arith.constant 0 : i32
    %broadcast_in_dim3A_616 = vector.broadcast %broadcast_in_dim3A_615 : i32 to vector<8x256xi32>
    %slice3A_617 = vector.extract_strided_slice %add3A_614 {offsets = [0, 0], sizes = [8, 7936], strides = [1, 1]} : vector<8x8192xi32> to vector<8x7936xi32>
    %concatenate3A_618 = tpu.concatenate %broadcast_in_dim3A_616, %slice3A_617 in 1 : vector<8x256xi32>, vector<8x7936xi32> -> vector<8x8192xi32>
    %add3A_619 = arith.addi %add3A_614, %concatenate3A_618 : vector<8x8192xi32>
    %broadcast_in_dim3A_620 = arith.constant 0 : i32
    %broadcast_in_dim3A_621 = vector.broadcast %broadcast_in_dim3A_620 : i32 to vector<8x512xi32>
    %slice3A_622 = vector.extract_strided_slice %add3A_619 {offsets = [0, 0], sizes = [8, 7680], strides = [1, 1]} : vector<8x8192xi32> to vector<8x7680xi32>
    %concatenate3A_623 = tpu.concatenate %broadcast_in_dim3A_621, %slice3A_622 in 1 : vector<8x512xi32>, vector<8x7680xi32> -> vector<8x8192xi32>
    %add3A_624 = arith.addi %add3A_619, %concatenate3A_623 : vector<8x8192xi32>
    %broadcast_in_dim3A_625 = arith.constant 0 : i32
    %broadcast_in_dim3A_626 = vector.broadcast %broadcast_in_dim3A_625 : i32 to vector<8x1024xi32>
    %slice3A_627 = vector.extract_strided_slice %add3A_624 {offsets = [0, 0], sizes = [8, 7168], strides = [1, 1]} : vector<8x8192xi32> to vector<8x7168xi32>
    %concatenate3A_628 = tpu.concatenate %broadcast_in_dim3A_626, %slice3A_627 in 1 : vector<8x1024xi32>, vector<8x7168xi32> -> vector<8x8192xi32>
    %add3A_629 = arith.addi %add3A_624, %concatenate3A_628 : vector<8x8192xi32>
    %broadcast_in_dim3A_630 = arith.constant 0 : i32
    %broadcast_in_dim3A_631 = vector.broadcast %broadcast_in_dim3A_630 : i32 to vector<8x2048xi32>
    %slice3A_632 = vector.extract_strided_slice %add3A_629 {offsets = [0, 0], sizes = [8, 6144], strides = [1, 1]} : vector<8x8192xi32> to vector<8x6144xi32>
    %concatenate3A_633 = tpu.concatenate %broadcast_in_dim3A_631, %slice3A_632 in 1 : vector<8x2048xi32>, vector<8x6144xi32> -> vector<8x8192xi32>
    %add3A_634 = arith.addi %add3A_629, %concatenate3A_633 : vector<8x8192xi32>
    %broadcast_in_dim3A_635 = arith.constant 0 : i32
    %broadcast_in_dim3A_636 = vector.broadcast %broadcast_in_dim3A_635 : i32 to vector<8x4096xi32>
    %slice3A_637 = vector.extract_strided_slice %add3A_634 {offsets = [0, 0], sizes = [8, 4096], strides = [1, 1]} : vector<8x8192xi32> to vector<8x4096xi32>
    %concatenate3A_638 = tpu.concatenate %broadcast_in_dim3A_636, %slice3A_637 in 1 : vector<8x4096xi32>, vector<8x4096xi32> -> vector<8x8192xi32>
    %add3A_639 = arith.addi %add3A_634, %concatenate3A_638 : vector<8x8192xi32>
    %mul3A_640 = arith.muli %add3A_639, %convert_element_type3A : vector<8x8192xi32>
    %reduce_sum3A_641 = arith.constant dense<0> : vector<8192xi32>
    %reduce_sum3A_642 = vector.multi_reduction <add>, %mul3A_640, %reduce_sum3A_641 [0] : vector<8x8192xi32> to vector<8192xi32>
    %broadcast_in_dim3A_643 = vector.shape_cast %reduce_sum3A_642 : vector<8192xi32> to vector<1x8192xi32>
    %sub3A_644 = arith.constant 1 : i32
    %sub3A_645 = vector.broadcast %sub3A_644 : i32 to vector<1x8192xi32>
    %sub3A_646 = arith.subi %broadcast_in_dim3A_643, %sub3A_645 : vector<1x8192xi32>
    %slice3A_647 = vector.extract_strided_slice %add3A_639 {offsets = [0, 8191], sizes = [8, 1], strides = [1, 1]} : vector<8x8192xi32> to vector<8x1xi32>
    %add3A_648 = arith.constant 511 : i32
    %add3A_649 = vector.broadcast %add3A_648 : i32 to vector<8x1xi32>
    %add3A_650 = arith.addi %slice3A_647, %add3A_649 : vector<8x1xi32>
    %jit3A_651 = arith.constant 512 : i32
    %div3A_652 = vector.broadcast %jit3A_651 : i32 to vector<8x1xi32>
    %div3A_653 = arith.divsi %add3A_650, %div3A_652 : vector<8x1xi32>
    %sign3A = arith.constant 0 : i32
    %sign3A_654 = vector.broadcast %sign3A : i32 to vector<8x1xi32>
    %sign3A_655 = arith.cmpi sgt, %add3A_650, %sign3A_654 : vector<8x1xi32>
    %sign3A_656 = arith.extui %sign3A_655 : vector<8x1xi1> to vector<8x1xi32>
    %sign3A_657 = arith.constant 0 : i32
    %sign3A_658 = vector.broadcast %sign3A_657 : i32 to vector<8x1xi32>
    %sign3A_659 = arith.cmpi slt, %add3A_650, %sign3A_658 : vector<8x1xi32>
    %sign3A_660 = arith.extui %sign3A_659 : vector<8x1xi1> to vector<8x1xi32>
    %sign3A_661 = arith.subi %sign3A_656, %sign3A_660 : vector<8x1xi32>
    %sign3A_662 = arith.constant 0 : i32
    %sign3A_663 = arith.cmpi sgt, %jit3A_651, %sign3A_662 : i32
    %sign3A_664 = arith.extui %sign3A_663 : i1 to i32
    %sign3A_665 = arith.constant 0 : i32
    %sign3A_666 = arith.cmpi slt, %jit3A_651, %sign3A_665 : i32
    %sign3A_667 = arith.extui %sign3A_666 : i1 to i32
    %sign3A_668 = arith.subi %sign3A_664, %sign3A_667 : i32
    %ne3A = vector.broadcast %sign3A_668 : i32 to vector<8x1xi32>
    %ne3A_669 = arith.cmpi ne, %sign3A_661, %ne3A : vector<8x1xi32>
    %rem3A = vector.broadcast %jit3A_651 : i32 to vector<8x1xi32>
    %rem3A_670 = arith.remsi %add3A_650, %rem3A : vector<8x1xi32>
    %ne3A_671 = arith.constant 0 : i32
    %ne3A_672 = vector.broadcast %ne3A_671 : i32 to vector<8x1xi32>
    %ne3A_673 = arith.cmpi ne, %rem3A_670, %ne3A_672 : vector<8x1xi32>
    %and3A = arith.andi %ne3A_669, %ne3A_673 : vector<8x1xi1>
    %sub3A_674 = arith.constant 1 : i32
    %sub3A_675 = vector.broadcast %sub3A_674 : i32 to vector<8x1xi32>
    %sub3A_676 = arith.subi %div3A_653, %sub3A_675 : vector<8x1xi32>
    %select_n3A_677 = arith.select %and3A, %sub3A_676, %div3A_653 : vector<8x1xi1>, vector<8x1xi32>
    %mul3A_678 = arith.constant 512 : i32
    %mul3A_679 = vector.broadcast %mul3A_678 : i32 to vector<8x1xi32>
    %mul3A_680 = arith.muli %select_n3A_677, %mul3A_679 : vector<8x1xi32>
    %broadcast_in_dim3A_681 = arith.constant 0 : i32
    %broadcast_in_dim3A_682 = vector.broadcast %broadcast_in_dim3A_681 : i32 to vector<1x1xi32>
    %slice3A_683 = vector.extract_strided_slice %mul3A_680 {offsets = [0, 0], sizes = [7, 1], strides = [1, 1]} : vector<8x1xi32> to vector<7x1xi32>
    %concatenate3A_684 = tpu.concatenate %broadcast_in_dim3A_682, %slice3A_683 in 0 : vector<1x1xi32>, vector<7x1xi32> -> vector<8x1xi32>
    %add3A_685 = arith.addi %mul3A_680, %concatenate3A_684 : vector<8x1xi32>
    %broadcast_in_dim3A_686 = arith.constant 0 : i32
    %broadcast_in_dim3A_687 = vector.broadcast %broadcast_in_dim3A_686 : i32 to vector<2x1xi32>
    %slice3A_688 = vector.extract_strided_slice %add3A_685 {offsets = [0, 0], sizes = [6, 1], strides = [1, 1]} : vector<8x1xi32> to vector<6x1xi32>
    %concatenate3A_689 = tpu.concatenate %broadcast_in_dim3A_687, %slice3A_688 in 0 : vector<2x1xi32>, vector<6x1xi32> -> vector<8x1xi32>
    %add3A_690 = arith.addi %add3A_685, %concatenate3A_689 : vector<8x1xi32>
    %broadcast_in_dim3A_691 = arith.constant 0 : i32
    %broadcast_in_dim3A_692 = vector.broadcast %broadcast_in_dim3A_691 : i32 to vector<4x1xi32>
    %slice3A_693 = vector.extract_strided_slice %add3A_690 {offsets = [0, 0], sizes = [4, 1], strides = [1, 1]} : vector<8x1xi32> to vector<4x1xi32>
    %concatenate3A_694 = tpu.concatenate %broadcast_in_dim3A_692, %slice3A_693 in 0 : vector<4x1xi32>, vector<4x1xi32> -> vector<8x1xi32>
    %add3A_695 = arith.addi %add3A_690, %concatenate3A_694 : vector<8x1xi32>
    %sub3A_696 = arith.subi %add3A_695, %mul3A_680 : vector<8x1xi32>
    %mul3A_697 = vector.broadcast %sub3A_696 : vector<8x1xi32> to vector<8x8192xi32>
    %mul3A_698 = arith.muli %convert_element_type3A, %mul3A_697 : vector<8x8192xi32>
    %reduce_sum3A_699 = arith.constant dense<0> : vector<8192xi32>
    %reduce_sum3A_700 = vector.multi_reduction <add>, %mul3A_698, %reduce_sum3A_699 [0] : vector<8x8192xi32> to vector<8192xi32>
    %broadcast_in_dim3A_701 = vector.shape_cast %reduce_sum3A_700 : vector<8192xi32> to vector<1x8192xi32>
    %add3A_702 = arith.addi %broadcast_in_dim3A_701, %sub3A_646 : vector<1x8192xi32>
    %swap3A_703 = arith.constant 0 : index
    %swap3A_704 = arith.constant 0 : index
    %swap3A_705 = vector.load %arg9[%swap3A_703, %swap3A_704] : memref<1x8192xi32, #tpu.memory_space<vmem>>, vector<1x8192xi32>
    tpu.vector_store %arg9[%swap3A_703, %swap3A_704], %add3A_702 {strides = array<i32>} : memref<1x8192xi32, #tpu.memory_space<vmem>>, vector<1x8192xi32>,
    %iota3A_706 = tpu.iota {dimensions = array<i32: 1>} : vector<8x24xi32>
    %mul3A_707 = arith.constant 512 : i32
    %mul3A_708 = vector.broadcast %mul3A_707 : i32 to vector<8x24xi32>
    %mul3A_709 = arith.muli %iota3A_706, %mul3A_708 : vector<8x24xi32>
    %ge3A = vector.broadcast %add3A_695 : vector<8x1xi32> to vector<8x24xi32>
    %ge3A_710 = arith.cmpi sge, %mul3A_709, %ge3A : vector<8x24xi32>
    %convert_element_type3A_711 = arith.extui %ge3A_710 : vector<8x24xi1> to vector<8x24xi32>
    %reduce_sum3A_712 = arith.constant dense<0> : vector<24xi32>
    %reduce_sum3A_713 = vector.multi_reduction <add>, %convert_element_type3A_711, %reduce_sum3A_712 [0] : vector<8x24xi32> to vector<24xi32>
    %min3A = arith.constant 7 : i32
    %min3A_714 = vector.broadcast %min3A : i32 to vector<24xi32>
    %min3A_715 = arith.minsi %reduce_sum3A_713, %min3A_714 : vector<24xi32>
    %swap3A_716 = arith.constant 0 : index
    %swap3A_717 = vector.load %arg10[%swap3A_716] : memref<24xi32, #tpu.memory_space<vmem>>, vector<24xi32>
    tpu.vector_store %arg10[%swap3A_716], %min3A_715 {strides = array<i32>} : memref<24xi32, #tpu.memory_space<vmem>>, vector<24xi32>,
    return
  }
}

module attributes {stable_mosaic.version = 14 : i64} {
  func.func @_expert_body(%arg0: i32, %arg1: memref<24xi32, #tpu.memory_space<smem>>, %arg2: memref<512x128xf32, #tpu.memory_space<vmem>>, %arg3: memref<1x2xf32, #tpu.memory_space<vmem>>, %arg4: memref<1x29x256xf32, #tpu.memory_space<vmem>>, %arg5: memref<1x1x256xf32, #tpu.memory_space<vmem>>, %arg6: memref<1x6x256x256xf32, #tpu.memory_space<vmem>>, %arg7: memref<1x6x256xf32, #tpu.memory_space<vmem>>, %arg8: memref<1x256x2xf32, #tpu.memory_space<vmem>>, %arg9: memref<1x1x2xf32, #tpu.memory_space<vmem>>, %arg10: memref<1x20x256xf32, #tpu.memory_space<vmem>>, %arg11: memref<1x1x256xf32, #tpu.memory_space<vmem>>, %arg12: memref<1x6x256x256xf32, #tpu.memory_space<vmem>>, %arg13: memref<1x6x256xf32, #tpu.memory_space<vmem>>, %arg14: memref<1x256x3xf32, #tpu.memory_space<vmem>>, %arg15: memref<1x1x3xf32, #tpu.memory_space<vmem>>, %arg16: memref<512x128xf32, #tpu.memory_space<vmem>>) attributes {dimension_semantics = [#tpu.dimension_semantics<arbitrary>], iteration_bounds = array<i64: 24>, scalar_prefetch = 1 : i64, scratch_operands = 0 : i64, tpu.core_type = #tpu.core_type<tc>, window_params = [{transform_indices = @transform_0, window_bounds = array<i64: 512, 128>}, {pipeline_mode = #tpu.pipeline_mode<synchronous>, transform_indices = @transform_1, window_bounds = array<i64: 1, 2>}, {transform_indices = @transform_2, window_bounds = array<i64: 1, 29, 256>}, {transform_indices = @transform_3, window_bounds = array<i64: 1, 1, 256>}, {transform_indices = @transform_4, window_bounds = array<i64: 1, 6, 256, 256>}, {transform_indices = @transform_5, window_bounds = array<i64: 1, 6, 256>}, {transform_indices = @transform_6, window_bounds = array<i64: 1, 256, 2>}, {transform_indices = @transform_7, window_bounds = array<i64: 1, 1, 2>}, {transform_indices = @transform_8, window_bounds = array<i64: 1, 20, 256>}, {transform_indices = @transform_9, window_bounds = array<i64: 1, 1, 256>}, {transform_indices = @transform_10, window_bounds = array<i64: 1, 6, 256, 256>}, {transform_indices = @transform_11, window_bounds = array<i64: 1, 6, 256>}, {transform_indices = @transform_12, window_bounds = array<i64: 1, 256, 3>}, {transform_indices = @transform_13, window_bounds = array<i64: 1, 1, 3>}, {transform_indices = @transform_14, window_bounds = array<i64: 512, 128>}]} {
    %get3A = arith.constant 0 : index
    %get3A_0 = arith.constant 0 : index
    %get3A_1 = vector.load %arg2[%get3A, %get3A_0] : memref<512x128xf32, #tpu.memory_space<vmem>>, vector<512x128xf32>
    %slice3A = vector.extract_strided_slice %get3A_1 {offsets = [0, 0], sizes = [512, 3], strides = [1, 1]} : vector<512x128xf32> to vector<512x3xf32>
    %transpose3A = tpu.transpose %slice3A, [1, 0] : vector<512x3xf32> -> vector<3x512xf32>
    %get3A_2 = arith.constant 0 : index
    %get3A_3 = arith.constant 0 : index
    %get3A_4 = vector.load %arg3[%get3A_2, %get3A_3] : memref<1x2xf32, #tpu.memory_space<vmem>>, vector<1x2xf32>
    %transpose3A_5 = tpu.transpose %get3A_4, [1, 0] : vector<1x2xf32> -> vector<2x1xf32>
    %broadcast_in_dim3A = vector.shape_cast %transpose3A_5 : vector<2x1xf32> to vector<2x1xf32>
    %broadcast_in_dim3A_6 = vector.broadcast %broadcast_in_dim3A : vector<2x1xf32> to vector<2x512xf32>
    %mul3A = arith.constant 6.28318548 : f32
    %mul3A_7 = vector.broadcast %mul3A : f32 to vector<3x512xf32>
    %mul3A_8 = arith.mulf %mul3A_7, %transpose3A : vector<3x512xf32>
    %sin3A = math.sin %mul3A_8 : vector<3x512xf32>
    %mul3A_9 = arith.constant 6.28318548 : f32
    %mul3A_10 = vector.broadcast %mul3A_9 : f32 to vector<3x512xf32>
    %mul3A_11 = arith.mulf %mul3A_10, %transpose3A : vector<3x512xf32>
    %cos3A = math.cos %mul3A_11 : vector<3x512xf32>
    %mul3A_12 = arith.constant 2.000000e+00 : f32
    %mul3A_13 = vector.broadcast %mul3A_12 : f32 to vector<3x512xf32>
    %mul3A_14 = arith.mulf %mul3A_13, %sin3A : vector<3x512xf32>
    %mul3A_15 = arith.mulf %mul3A_14, %cos3A : vector<3x512xf32>
    %mul3A_16 = arith.constant 2.000000e+00 : f32
    %mul3A_17 = vector.broadcast %mul3A_16 : f32 to vector<3x512xf32>
    %mul3A_18 = arith.mulf %mul3A_17, %sin3A : vector<3x512xf32>
    %mul3A_19 = arith.mulf %mul3A_18, %sin3A : vector<3x512xf32>
    %sub3A = arith.constant 1.000000e+00 : f32
    %sub3A_20 = vector.broadcast %sub3A : f32 to vector<3x512xf32>
    %sub3A_21 = arith.subf %sub3A_20, %mul3A_19 : vector<3x512xf32>
    %mul3A_22 = arith.constant 2.000000e+00 : f32
    %mul3A_23 = vector.broadcast %mul3A_22 : f32 to vector<3x512xf32>
    %mul3A_24 = arith.mulf %mul3A_23, %mul3A_15 : vector<3x512xf32>
    %mul3A_25 = arith.mulf %mul3A_24, %sub3A_21 : vector<3x512xf32>
    %mul3A_26 = arith.constant 2.000000e+00 : f32
    %mul3A_27 = vector.broadcast %mul3A_26 : f32 to vector<3x512xf32>
    %mul3A_28 = arith.mulf %mul3A_27, %mul3A_15 : vector<3x512xf32>
    %mul3A_29 = arith.mulf %mul3A_28, %mul3A_15 : vector<3x512xf32>
    %sub3A_30 = arith.constant 1.000000e+00 : f32
    %sub3A_31 = vector.broadcast %sub3A_30 : f32 to vector<3x512xf32>
    %sub3A_32 = arith.subf %sub3A_31, %mul3A_29 : vector<3x512xf32>
    %mul3A_33 = arith.constant 2.000000e+00 : f32
    %mul3A_34 = vector.broadcast %mul3A_33 : f32 to vector<3x512xf32>
    %mul3A_35 = arith.mulf %mul3A_34, %mul3A_25 : vector<3x512xf32>
    %mul3A_36 = arith.mulf %mul3A_35, %sub3A_32 : vector<3x512xf32>
    %mul3A_37 = arith.constant 2.000000e+00 : f32
    %mul3A_38 = vector.broadcast %mul3A_37 : f32 to vector<3x512xf32>
    %mul3A_39 = arith.mulf %mul3A_38, %mul3A_25 : vector<3x512xf32>
    %mul3A_40 = arith.mulf %mul3A_39, %mul3A_25 : vector<3x512xf32>
    %sub3A_41 = arith.constant 1.000000e+00 : f32
    %sub3A_42 = vector.broadcast %sub3A_41 : f32 to vector<3x512xf32>
    %sub3A_43 = arith.subf %sub3A_42, %mul3A_40 : vector<3x512xf32>
    %concatenate3A = tpu.concatenate %transpose3A, %sin3A, %cos3A, %mul3A_15, %sub3A_21, %mul3A_25, %sub3A_32, %mul3A_36, %sub3A_43, %broadcast_in_dim3A_6 in 0 : vector<3x512xf32>, vector<3x512xf32>, vector<3x512xf32>, vector<3x512xf32>, vector<3x512xf32>, vector<3x512xf32>, vector<3x512xf32>, vector<3x512xf32>, vector<3x512xf32>, vector<2x512xf32> -> vector<29x512xf32>
    %get3A_44 = arith.constant 0 : index
    %get3A_45 = arith.constant 0 : index
    %get3A_46 = arith.constant 0 : index
    %get3A_47 = vector.load %arg4[%get3A_44, %get3A_45, %get3A_46] : memref<1x29x256xf32, #tpu.memory_space<vmem>>, vector<1x29x256xf32>
    %get3A_48 = vector.shape_cast %get3A_47 : vector<1x29x256xf32> to vector<29x256xf32>
    %get3A_49 = arith.constant 0 : index
    %get3A_50 = arith.constant 0 : index
    %get3A_51 = arith.constant 0 : index
    %get3A_52 = vector.load %arg5[%get3A_49, %get3A_50, %get3A_51] : memref<1x1x256xf32, #tpu.memory_space<vmem>>, vector<1x1x256xf32>
    %get3A_53 = vector.shape_cast %get3A_52 : vector<1x1x256xf32> to vector<256xf32>
    %get3A_54 = arith.constant 0 : index
    %get3A_55 = arith.constant 0 : index
    %get3A_56 = arith.constant 0 : index
    %get3A_57 = vector.load %arg8[%get3A_54, %get3A_55, %get3A_56] : memref<1x256x2xf32, #tpu.memory_space<vmem>>, vector<1x256x2xf32>
    %get3A_58 = vector.shape_cast %get3A_57 : vector<1x256x2xf32> to vector<256x2xf32>
    %get3A_59 = arith.constant 0 : index
    %get3A_60 = arith.constant 0 : index
    %get3A_61 = arith.constant 0 : index
    %get3A_62 = vector.load %arg9[%get3A_59, %get3A_60, %get3A_61] : memref<1x1x2xf32, #tpu.memory_space<vmem>>, vector<1x1x2xf32>
    %get3A_63 = vector.shape_cast %get3A_62 : vector<1x1x2xf32> to vector<2xf32>
    %dot_general3A = arith.constant dense<0.000000e+00> : vector<256x512xf32>
    %dot_general3A_64 = tpu.matmul %get3A_48, %concatenate3A, %dot_general3A {dimension_numbers = #tpu.dot_dimension_numbers<[0], [0], [1], [1], [0, 1, 1, 1], [], []>, transpose_lhs_hint = false} : vector<29x256xf32>, vector<29x512xf32>, vector<256x512xf32> -> vector<256x512xf32>
    %broadcast_in_dim3A_65 = vector.shape_cast %get3A_53 : vector<256xf32> to vector<256x1xf32>
    %add3A = vector.broadcast %broadcast_in_dim3A_65 : vector<256x1xf32> to vector<256x512xf32>
    %add3A_66 = arith.addf %dot_general3A_64, %add3A : vector<256x512xf32>
    %max3A = arith.constant 0.000000e+00 : f32
    %max3A_67 = vector.broadcast %max3A : f32 to vector<256x512xf32>
    %max3A_68 = arith.maximumf %add3A_66, %max3A_67 : vector<256x512xf32>
    %get3A_69 = arith.constant 0 : index
    %get3A_70 = arith.constant 0 : index
    %get3A_71 = arith.constant 0 : index
    %get3A_72 = arith.constant 0 : index
    %get3A_73 = vector.load %arg6[%get3A_69, %get3A_70, %get3A_71, %get3A_72] : memref<1x6x256x256xf32, #tpu.memory_space<vmem>>, vector<1x1x256x256xf32>
    %get3A_74 = vector.shape_cast %get3A_73 : vector<1x1x256x256xf32> to vector<256x256xf32>
    %dot_general3A_75 = arith.constant dense<0.000000e+00> : vector<256x512xf32>
    %dot_general3A_76 = tpu.matmul %get3A_74, %max3A_68, %dot_general3A_75 {dimension_numbers = #tpu.dot_dimension_numbers<[0], [0], [1], [1], [0, 1, 1, 1], [], []>, transpose_lhs_hint = false} : vector<256x256xf32>, vector<256x512xf32>, vector<256x512xf32> -> vector<256x512xf32>
    %get3A_77 = arith.constant 0 : index
    %get3A_78 = arith.constant 0 : index
    %get3A_79 = arith.constant 0 : index
    %get3A_80 = vector.load %arg7[%get3A_77, %get3A_78, %get3A_79] : memref<1x6x256xf32, #tpu.memory_space<vmem>>, vector<1x1x256xf32>
    %get3A_81 = vector.shape_cast %get3A_80 : vector<1x1x256xf32> to vector<256xf32>
    %broadcast_in_dim3A_82 = vector.shape_cast %get3A_81 : vector<256xf32> to vector<256x1xf32>
    %add3A_83 = vector.broadcast %broadcast_in_dim3A_82 : vector<256x1xf32> to vector<256x512xf32>
    %add3A_84 = arith.addf %dot_general3A_76, %add3A_83 : vector<256x512xf32>
    %max3A_85 = arith.constant 0.000000e+00 : f32
    %max3A_86 = vector.broadcast %max3A_85 : f32 to vector<256x512xf32>
    %max3A_87 = arith.maximumf %add3A_84, %max3A_86 : vector<256x512xf32>
    %get3A_88 = arith.constant 0 : index
    %get3A_89 = arith.constant 1 : index
    %get3A_90 = arith.constant 0 : index
    %get3A_91 = arith.constant 0 : index
    %get3A_92 = vector.load %arg6[%get3A_88, %get3A_89, %get3A_90, %get3A_91] : memref<1x6x256x256xf32, #tpu.memory_space<vmem>>, vector<1x1x256x256xf32>
    %get3A_93 = vector.shape_cast %get3A_92 : vector<1x1x256x256xf32> to vector<256x256xf32>
    %dot_general3A_94 = arith.constant dense<0.000000e+00> : vector<256x512xf32>
    %dot_general3A_95 = tpu.matmul %get3A_93, %max3A_87, %dot_general3A_94 {dimension_numbers = #tpu.dot_dimension_numbers<[0], [0], [1], [1], [0, 1, 1, 1], [], []>, transpose_lhs_hint = false} : vector<256x256xf32>, vector<256x512xf32>, vector<256x512xf32> -> vector<256x512xf32>
    %get3A_96 = arith.constant 0 : index
    %get3A_97 = arith.constant 1 : index
    %get3A_98 = arith.constant 0 : index
    %get3A_99 = vector.load %arg7[%get3A_96, %get3A_97, %get3A_98] : memref<1x6x256xf32, #tpu.memory_space<vmem>>, vector<1x1x256xf32>
    %get3A_100 = vector.shape_cast %get3A_99 : vector<1x1x256xf32> to vector<256xf32>
    %broadcast_in_dim3A_101 = vector.shape_cast %get3A_100 : vector<256xf32> to vector<256x1xf32>
    %add3A_102 = vector.broadcast %broadcast_in_dim3A_101 : vector<256x1xf32> to vector<256x512xf32>
    %add3A_103 = arith.addf %dot_general3A_95, %add3A_102 : vector<256x512xf32>
    %max3A_104 = arith.constant 0.000000e+00 : f32
    %max3A_105 = vector.broadcast %max3A_104 : f32 to vector<256x512xf32>
    %max3A_106 = arith.maximumf %add3A_103, %max3A_105 : vector<256x512xf32>
    %get3A_107 = arith.constant 0 : index
    %get3A_108 = arith.constant 2 : index
    %get3A_109 = arith.constant 0 : index
    %get3A_110 = arith.constant 0 : index
    %get3A_111 = vector.load %arg6[%get3A_107, %get3A_108, %get3A_109, %get3A_110] : memref<1x6x256x256xf32, #tpu.memory_space<vmem>>, vector<1x1x256x256xf32>
    %get3A_112 = vector.shape_cast %get3A_111 : vector<1x1x256x256xf32> to vector<256x256xf32>
    %dot_general3A_113 = arith.constant dense<0.000000e+00> : vector<256x512xf32>
    %dot_general3A_114 = tpu.matmul %get3A_112, %max3A_106, %dot_general3A_113 {dimension_numbers = #tpu.dot_dimension_numbers<[0], [0], [1], [1], [0, 1, 1, 1], [], []>, transpose_lhs_hint = false} : vector<256x256xf32>, vector<256x512xf32>, vector<256x512xf32> -> vector<256x512xf32>
    %get3A_115 = arith.constant 0 : index
    %get3A_116 = arith.constant 2 : index
    %get3A_117 = arith.constant 0 : index
    %get3A_118 = vector.load %arg7[%get3A_115, %get3A_116, %get3A_117] : memref<1x6x256xf32, #tpu.memory_space<vmem>>, vector<1x1x256xf32>
    %get3A_119 = vector.shape_cast %get3A_118 : vector<1x1x256xf32> to vector<256xf32>
    %broadcast_in_dim3A_120 = vector.shape_cast %get3A_119 : vector<256xf32> to vector<256x1xf32>
    %add3A_121 = vector.broadcast %broadcast_in_dim3A_120 : vector<256x1xf32> to vector<256x512xf32>
    %add3A_122 = arith.addf %dot_general3A_114, %add3A_121 : vector<256x512xf32>
    %max3A_123 = arith.constant 0.000000e+00 : f32
    %max3A_124 = vector.broadcast %max3A_123 : f32 to vector<256x512xf32>
    %max3A_125 = arith.maximumf %add3A_122, %max3A_124 : vector<256x512xf32>
    %get3A_126 = arith.constant 0 : index
    %get3A_127 = arith.constant 3 : index
    %get3A_128 = arith.constant 0 : index
    %get3A_129 = arith.constant 0 : index
    %get3A_130 = vector.load %arg6[%get3A_126, %get3A_127, %get3A_128, %get3A_129] : memref<1x6x256x256xf32, #tpu.memory_space<vmem>>, vector<1x1x256x256xf32>
    %get3A_131 = vector.shape_cast %get3A_130 : vector<1x1x256x256xf32> to vector<256x256xf32>
    %dot_general3A_132 = arith.constant dense<0.000000e+00> : vector<256x512xf32>
    %dot_general3A_133 = tpu.matmul %get3A_131, %max3A_125, %dot_general3A_132 {dimension_numbers = #tpu.dot_dimension_numbers<[0], [0], [1], [1], [0, 1, 1, 1], [], []>, transpose_lhs_hint = false} : vector<256x256xf32>, vector<256x512xf32>, vector<256x512xf32> -> vector<256x512xf32>
    %get3A_134 = arith.constant 0 : index
    %get3A_135 = arith.constant 3 : index
    %get3A_136 = arith.constant 0 : index
    %get3A_137 = vector.load %arg7[%get3A_134, %get3A_135, %get3A_136] : memref<1x6x256xf32, #tpu.memory_space<vmem>>, vector<1x1x256xf32>
    %get3A_138 = vector.shape_cast %get3A_137 : vector<1x1x256xf32> to vector<256xf32>
    %broadcast_in_dim3A_139 = vector.shape_cast %get3A_138 : vector<256xf32> to vector<256x1xf32>
    %add3A_140 = vector.broadcast %broadcast_in_dim3A_139 : vector<256x1xf32> to vector<256x512xf32>
    %add3A_141 = arith.addf %dot_general3A_133, %add3A_140 : vector<256x512xf32>
    %max3A_142 = arith.constant 0.000000e+00 : f32
    %max3A_143 = vector.broadcast %max3A_142 : f32 to vector<256x512xf32>
    %max3A_144 = arith.maximumf %add3A_141, %max3A_143 : vector<256x512xf32>
    %get3A_145 = arith.constant 0 : index
    %get3A_146 = arith.constant 4 : index
    %get3A_147 = arith.constant 0 : index
    %get3A_148 = arith.constant 0 : index
    %get3A_149 = vector.load %arg6[%get3A_145, %get3A_146, %get3A_147, %get3A_148] : memref<1x6x256x256xf32, #tpu.memory_space<vmem>>, vector<1x1x256x256xf32>
    %get3A_150 = vector.shape_cast %get3A_149 : vector<1x1x256x256xf32> to vector<256x256xf32>
    %dot_general3A_151 = arith.constant dense<0.000000e+00> : vector<256x512xf32>
    %dot_general3A_152 = tpu.matmul %get3A_150, %max3A_144, %dot_general3A_151 {dimension_numbers = #tpu.dot_dimension_numbers<[0], [0], [1], [1], [0, 1, 1, 1], [], []>, transpose_lhs_hint = false} : vector<256x256xf32>, vector<256x512xf32>, vector<256x512xf32> -> vector<256x512xf32>
    %get3A_153 = arith.constant 0 : index
    %get3A_154 = arith.constant 4 : index
    %get3A_155 = arith.constant 0 : index
    %get3A_156 = vector.load %arg7[%get3A_153, %get3A_154, %get3A_155] : memref<1x6x256xf32, #tpu.memory_space<vmem>>, vector<1x1x256xf32>
    %get3A_157 = vector.shape_cast %get3A_156 : vector<1x1x256xf32> to vector<256xf32>
    %broadcast_in_dim3A_158 = vector.shape_cast %get3A_157 : vector<256xf32> to vector<256x1xf32>
    %add3A_159 = vector.broadcast %broadcast_in_dim3A_158 : vector<256x1xf32> to vector<256x512xf32>
    %add3A_160 = arith.addf %dot_general3A_152, %add3A_159 : vector<256x512xf32>
    %max3A_161 = arith.constant 0.000000e+00 : f32
    %max3A_162 = vector.broadcast %max3A_161 : f32 to vector<256x512xf32>
    %max3A_163 = arith.maximumf %add3A_160, %max3A_162 : vector<256x512xf32>
    %get3A_164 = arith.constant 0 : index
    %get3A_165 = arith.constant 5 : index
    %get3A_166 = arith.constant 0 : index
    %get3A_167 = arith.constant 0 : index
    %get3A_168 = vector.load %arg6[%get3A_164, %get3A_165, %get3A_166, %get3A_167] : memref<1x6x256x256xf32, #tpu.memory_space<vmem>>, vector<1x1x256x256xf32>
    %get3A_169 = vector.shape_cast %get3A_168 : vector<1x1x256x256xf32> to vector<256x256xf32>
    %dot_general3A_170 = arith.constant dense<0.000000e+00> : vector<256x512xf32>
    %dot_general3A_171 = tpu.matmul %get3A_169, %max3A_163, %dot_general3A_170 {dimension_numbers = #tpu.dot_dimension_numbers<[0], [0], [1], [1], [0, 1, 1, 1], [], []>, transpose_lhs_hint = false} : vector<256x256xf32>, vector<256x512xf32>, vector<256x512xf32> -> vector<256x512xf32>
    %get3A_172 = arith.constant 0 : index
    %get3A_173 = arith.constant 5 : index
    %get3A_174 = arith.constant 0 : index
    %get3A_175 = vector.load %arg7[%get3A_172, %get3A_173, %get3A_174] : memref<1x6x256xf32, #tpu.memory_space<vmem>>, vector<1x1x256xf32>
    %get3A_176 = vector.shape_cast %get3A_175 : vector<1x1x256xf32> to vector<256xf32>
    %broadcast_in_dim3A_177 = vector.shape_cast %get3A_176 : vector<256xf32> to vector<256x1xf32>
    %add3A_178 = vector.broadcast %broadcast_in_dim3A_177 : vector<256x1xf32> to vector<256x512xf32>
    %add3A_179 = arith.addf %dot_general3A_171, %add3A_178 : vector<256x512xf32>
    %max3A_180 = arith.constant 0.000000e+00 : f32
    %max3A_181 = vector.broadcast %max3A_180 : f32 to vector<256x512xf32>
    %max3A_182 = arith.maximumf %add3A_179, %max3A_181 : vector<256x512xf32>
    %dot_general3A_183 = arith.constant dense<0.000000e+00> : vector<2x512xf32>
    %dot_general3A_184 = tpu.matmul %get3A_58, %max3A_182, %dot_general3A_183 {dimension_numbers = #tpu.dot_dimension_numbers<[0], [0], [1], [1], [0, 1, 1, 1], [], []>, transpose_lhs_hint = false} : vector<256x2xf32>, vector<256x512xf32>, vector<2x512xf32> -> vector<2x512xf32>
    %broadcast_in_dim3A_185 = vector.shape_cast %get3A_63 : vector<2xf32> to vector<2x1xf32>
    %add3A_186 = vector.broadcast %broadcast_in_dim3A_185 : vector<2x1xf32> to vector<2x512xf32>
    %add3A_187 = arith.addf %dot_general3A_184, %add3A_186 : vector<2x512xf32>
    %logistic3A = arith.negf %add3A_187 : vector<2x512xf32>
    %logistic3A_188 = math.exp %logistic3A : vector<2x512xf32>
    %logistic3A_189 = arith.constant 1.000000e+00 : f32
    %logistic3A_190 = vector.broadcast %logistic3A_189 : f32 to vector<2x512xf32>
    %logistic3A_191 = arith.addf %logistic3A_190, %logistic3A_188 : vector<2x512xf32>
    %logistic3A_192 = arith.divf %logistic3A_190, %logistic3A_191 : vector<2x512xf32>
    %mul3A_193 = arith.constant 6.28318548 : f32
    %mul3A_194 = vector.broadcast %mul3A_193 : f32 to vector<2x512xf32>
    %mul3A_195 = arith.mulf %mul3A_194, %logistic3A_192 : vector<2x512xf32>
    %sin3A_196 = math.sin %mul3A_195 : vector<2x512xf32>
    %mul3A_197 = arith.constant 6.28318548 : f32
    %mul3A_198 = vector.broadcast %mul3A_197 : f32 to vector<2x512xf32>
    %mul3A_199 = arith.mulf %mul3A_198, %logistic3A_192 : vector<2x512xf32>
    %cos3A_200 = math.cos %mul3A_199 : vector<2x512xf32>
    %mul3A_201 = arith.constant 2.000000e+00 : f32
    %mul3A_202 = vector.broadcast %mul3A_201 : f32 to vector<2x512xf32>
    %mul3A_203 = arith.mulf %mul3A_202, %sin3A_196 : vector<2x512xf32>
    %mul3A_204 = arith.mulf %mul3A_203, %cos3A_200 : vector<2x512xf32>
    %mul3A_205 = arith.constant 2.000000e+00 : f32
    %mul3A_206 = vector.broadcast %mul3A_205 : f32 to vector<2x512xf32>
    %mul3A_207 = arith.mulf %mul3A_206, %sin3A_196 : vector<2x512xf32>
    %mul3A_208 = arith.mulf %mul3A_207, %sin3A_196 : vector<2x512xf32>
    %sub3A_209 = arith.constant 1.000000e+00 : f32
    %sub3A_210 = vector.broadcast %sub3A_209 : f32 to vector<2x512xf32>
    %sub3A_211 = arith.subf %sub3A_210, %mul3A_208 : vector<2x512xf32>
    %mul3A_212 = arith.constant 2.000000e+00 : f32
    %mul3A_213 = vector.broadcast %mul3A_212 : f32 to vector<2x512xf32>
    %mul3A_214 = arith.mulf %mul3A_213, %mul3A_204 : vector<2x512xf32>
    %mul3A_215 = arith.mulf %mul3A_214, %sub3A_211 : vector<2x512xf32>
    %mul3A_216 = arith.constant 2.000000e+00 : f32
    %mul3A_217 = vector.broadcast %mul3A_216 : f32 to vector<2x512xf32>
    %mul3A_218 = arith.mulf %mul3A_217, %mul3A_204 : vector<2x512xf32>
    %mul3A_219 = arith.mulf %mul3A_218, %mul3A_204 : vector<2x512xf32>
    %sub3A_220 = arith.constant 1.000000e+00 : f32
    %sub3A_221 = vector.broadcast %sub3A_220 : f32 to vector<2x512xf32>
    %sub3A_222 = arith.subf %sub3A_221, %mul3A_219 : vector<2x512xf32>
    %mul3A_223 = arith.constant 2.000000e+00 : f32
    %mul3A_224 = vector.broadcast %mul3A_223 : f32 to vector<2x512xf32>
    %mul3A_225 = arith.mulf %mul3A_224, %mul3A_215 : vector<2x512xf32>
    %mul3A_226 = arith.mulf %mul3A_225, %sub3A_222 : vector<2x512xf32>
    %mul3A_227 = arith.constant 2.000000e+00 : f32
    %mul3A_228 = vector.broadcast %mul3A_227 : f32 to vector<2x512xf32>
    %mul3A_229 = arith.mulf %mul3A_228, %mul3A_215 : vector<2x512xf32>
    %mul3A_230 = arith.mulf %mul3A_229, %mul3A_215 : vector<2x512xf32>
    %sub3A_231 = arith.constant 1.000000e+00 : f32
    %sub3A_232 = vector.broadcast %sub3A_231 : f32 to vector<2x512xf32>
    %sub3A_233 = arith.subf %sub3A_232, %mul3A_230 : vector<2x512xf32>
    %concatenate3A_234 = tpu.concatenate %logistic3A_192, %sin3A_196, %cos3A_200, %mul3A_204, %sub3A_211, %mul3A_215, %sub3A_222, %mul3A_226, %sub3A_233, %broadcast_in_dim3A_6 in 0 : vector<2x512xf32>, vector<2x512xf32>, vector<2x512xf32>, vector<2x512xf32>, vector<2x512xf32>, vector<2x512xf32>, vector<2x512xf32>, vector<2x512xf32>, vector<2x512xf32>, vector<2x512xf32> -> vector<20x512xf32>
    %get3A_235 = arith.constant 0 : index
    %get3A_236 = arith.constant 0 : index
    %get3A_237 = arith.constant 0 : index
    %get3A_238 = vector.load %arg10[%get3A_235, %get3A_236, %get3A_237] : memref<1x20x256xf32, #tpu.memory_space<vmem>>, vector<1x20x256xf32>
    %get3A_239 = vector.shape_cast %get3A_238 : vector<1x20x256xf32> to vector<20x256xf32>
    %get3A_240 = arith.constant 0 : index
    %get3A_241 = arith.constant 0 : index
    %get3A_242 = arith.constant 0 : index
    %get3A_243 = vector.load %arg11[%get3A_240, %get3A_241, %get3A_242] : memref<1x1x256xf32, #tpu.memory_space<vmem>>, vector<1x1x256xf32>
    %get3A_244 = vector.shape_cast %get3A_243 : vector<1x1x256xf32> to vector<256xf32>
    %get3A_245 = arith.constant 0 : index
    %get3A_246 = arith.constant 0 : index
    %get3A_247 = arith.constant 0 : index
    %get3A_248 = vector.load %arg14[%get3A_245, %get3A_246, %get3A_247] : memref<1x256x3xf32, #tpu.memory_space<vmem>>, vector<1x256x3xf32>
    %get3A_249 = vector.shape_cast %get3A_248 : vector<1x256x3xf32> to vector<256x3xf32>
    %get3A_250 = arith.constant 0 : index
    %get3A_251 = arith.constant 0 : index
    %get3A_252 = arith.constant 0 : index
    %get3A_253 = vector.load %arg15[%get3A_250, %get3A_251, %get3A_252] : memref<1x1x3xf32, #tpu.memory_space<vmem>>, vector<1x1x3xf32>
    %get3A_254 = vector.shape_cast %get3A_253 : vector<1x1x3xf32> to vector<3xf32>
    %dot_general3A_255 = arith.constant dense<0.000000e+00> : vector<256x512xf32>
    %dot_general3A_256 = tpu.matmul %get3A_239, %concatenate3A_234, %dot_general3A_255 {dimension_numbers = #tpu.dot_dimension_numbers<[0], [0], [1], [1], [0, 1, 1, 1], [], []>, transpose_lhs_hint = false} : vector<20x256xf32>, vector<20x512xf32>, vector<256x512xf32> -> vector<256x512xf32>
    %broadcast_in_dim3A_257 = vector.shape_cast %get3A_244 : vector<256xf32> to vector<256x1xf32>
    %add3A_258 = vector.broadcast %broadcast_in_dim3A_257 : vector<256x1xf32> to vector<256x512xf32>
    %add3A_259 = arith.addf %dot_general3A_256, %add3A_258 : vector<256x512xf32>
    %max3A_260 = arith.constant 0.000000e+00 : f32
    %max3A_261 = vector.broadcast %max3A_260 : f32 to vector<256x512xf32>
    %max3A_262 = arith.maximumf %add3A_259, %max3A_261 : vector<256x512xf32>
    %get3A_263 = arith.constant 0 : index
    %get3A_264 = arith.constant 0 : index
    %get3A_265 = arith.constant 0 : index
    %get3A_266 = arith.constant 0 : index
    %get3A_267 = vector.load %arg12[%get3A_263, %get3A_264, %get3A_265, %get3A_266] : memref<1x6x256x256xf32, #tpu.memory_space<vmem>>, vector<1x1x256x256xf32>
    %get3A_268 = vector.shape_cast %get3A_267 : vector<1x1x256x256xf32> to vector<256x256xf32>
    %dot_general3A_269 = arith.constant dense<0.000000e+00> : vector<256x512xf32>
    %dot_general3A_270 = tpu.matmul %get3A_268, %max3A_262, %dot_general3A_269 {dimension_numbers = #tpu.dot_dimension_numbers<[0], [0], [1], [1], [0, 1, 1, 1], [], []>, transpose_lhs_hint = false} : vector<256x256xf32>, vector<256x512xf32>, vector<256x512xf32> -> vector<256x512xf32>
    %get3A_271 = arith.constant 0 : index
    %get3A_272 = arith.constant 0 : index
    %get3A_273 = arith.constant 0 : index
    %get3A_274 = vector.load %arg13[%get3A_271, %get3A_272, %get3A_273] : memref<1x6x256xf32, #tpu.memory_space<vmem>>, vector<1x1x256xf32>
    %get3A_275 = vector.shape_cast %get3A_274 : vector<1x1x256xf32> to vector<256xf32>
    %broadcast_in_dim3A_276 = vector.shape_cast %get3A_275 : vector<256xf32> to vector<256x1xf32>
    %add3A_277 = vector.broadcast %broadcast_in_dim3A_276 : vector<256x1xf32> to vector<256x512xf32>
    %add3A_278 = arith.addf %dot_general3A_270, %add3A_277 : vector<256x512xf32>
    %max3A_279 = arith.constant 0.000000e+00 : f32
    %max3A_280 = vector.broadcast %max3A_279 : f32 to vector<256x512xf32>
    %max3A_281 = arith.maximumf %add3A_278, %max3A_280 : vector<256x512xf32>
    %get3A_282 = arith.constant 0 : index
    %get3A_283 = arith.constant 1 : index
    %get3A_284 = arith.constant 0 : index
    %get3A_285 = arith.constant 0 : index
    %get3A_286 = vector.load %arg12[%get3A_282, %get3A_283, %get3A_284, %get3A_285] : memref<1x6x256x256xf32, #tpu.memory_space<vmem>>, vector<1x1x256x256xf32>
    %get3A_287 = vector.shape_cast %get3A_286 : vector<1x1x256x256xf32> to vector<256x256xf32>
    %dot_general3A_288 = arith.constant dense<0.000000e+00> : vector<256x512xf32>
    %dot_general3A_289 = tpu.matmul %get3A_287, %max3A_281, %dot_general3A_288 {dimension_numbers = #tpu.dot_dimension_numbers<[0], [0], [1], [1], [0, 1, 1, 1], [], []>, transpose_lhs_hint = false} : vector<256x256xf32>, vector<256x512xf32>, vector<256x512xf32> -> vector<256x512xf32>
    %get3A_290 = arith.constant 0 : index
    %get3A_291 = arith.constant 1 : index
    %get3A_292 = arith.constant 0 : index
    %get3A_293 = vector.load %arg13[%get3A_290, %get3A_291, %get3A_292] : memref<1x6x256xf32, #tpu.memory_space<vmem>>, vector<1x1x256xf32>
    %get3A_294 = vector.shape_cast %get3A_293 : vector<1x1x256xf32> to vector<256xf32>
    %broadcast_in_dim3A_295 = vector.shape_cast %get3A_294 : vector<256xf32> to vector<256x1xf32>
    %add3A_296 = vector.broadcast %broadcast_in_dim3A_295 : vector<256x1xf32> to vector<256x512xf32>
    %add3A_297 = arith.addf %dot_general3A_289, %add3A_296 : vector<256x512xf32>
    %max3A_298 = arith.constant 0.000000e+00 : f32
    %max3A_299 = vector.broadcast %max3A_298 : f32 to vector<256x512xf32>
    %max3A_300 = arith.maximumf %add3A_297, %max3A_299 : vector<256x512xf32>
    %get3A_301 = arith.constant 0 : index
    %get3A_302 = arith.constant 2 : index
    %get3A_303 = arith.constant 0 : index
    %get3A_304 = arith.constant 0 : index
    %get3A_305 = vector.load %arg12[%get3A_301, %get3A_302, %get3A_303, %get3A_304] : memref<1x6x256x256xf32, #tpu.memory_space<vmem>>, vector<1x1x256x256xf32>
    %get3A_306 = vector.shape_cast %get3A_305 : vector<1x1x256x256xf32> to vector<256x256xf32>
    %dot_general3A_307 = arith.constant dense<0.000000e+00> : vector<256x512xf32>
    %dot_general3A_308 = tpu.matmul %get3A_306, %max3A_300, %dot_general3A_307 {dimension_numbers = #tpu.dot_dimension_numbers<[0], [0], [1], [1], [0, 1, 1, 1], [], []>, transpose_lhs_hint = false} : vector<256x256xf32>, vector<256x512xf32>, vector<256x512xf32> -> vector<256x512xf32>
    %get3A_309 = arith.constant 0 : index
    %get3A_310 = arith.constant 2 : index
    %get3A_311 = arith.constant 0 : index
    %get3A_312 = vector.load %arg13[%get3A_309, %get3A_310, %get3A_311] : memref<1x6x256xf32, #tpu.memory_space<vmem>>, vector<1x1x256xf32>
    %get3A_313 = vector.shape_cast %get3A_312 : vector<1x1x256xf32> to vector<256xf32>
    %broadcast_in_dim3A_314 = vector.shape_cast %get3A_313 : vector<256xf32> to vector<256x1xf32>
    %add3A_315 = vector.broadcast %broadcast_in_dim3A_314 : vector<256x1xf32> to vector<256x512xf32>
    %add3A_316 = arith.addf %dot_general3A_308, %add3A_315 : vector<256x512xf32>
    %max3A_317 = arith.constant 0.000000e+00 : f32
    %max3A_318 = vector.broadcast %max3A_317 : f32 to vector<256x512xf32>
    %max3A_319 = arith.maximumf %add3A_316, %max3A_318 : vector<256x512xf32>
    %get3A_320 = arith.constant 0 : index
    %get3A_321 = arith.constant 3 : index
    %get3A_322 = arith.constant 0 : index
    %get3A_323 = arith.constant 0 : index
    %get3A_324 = vector.load %arg12[%get3A_320, %get3A_321, %get3A_322, %get3A_323] : memref<1x6x256x256xf32, #tpu.memory_space<vmem>>, vector<1x1x256x256xf32>
    %get3A_325 = vector.shape_cast %get3A_324 : vector<1x1x256x256xf32> to vector<256x256xf32>
    %dot_general3A_326 = arith.constant dense<0.000000e+00> : vector<256x512xf32>
    %dot_general3A_327 = tpu.matmul %get3A_325, %max3A_319, %dot_general3A_326 {dimension_numbers = #tpu.dot_dimension_numbers<[0], [0], [1], [1], [0, 1, 1, 1], [], []>, transpose_lhs_hint = false} : vector<256x256xf32>, vector<256x512xf32>, vector<256x512xf32> -> vector<256x512xf32>
    %get3A_328 = arith.constant 0 : index
    %get3A_329 = arith.constant 3 : index
    %get3A_330 = arith.constant 0 : index
    %get3A_331 = vector.load %arg13[%get3A_328, %get3A_329, %get3A_330] : memref<1x6x256xf32, #tpu.memory_space<vmem>>, vector<1x1x256xf32>
    %get3A_332 = vector.shape_cast %get3A_331 : vector<1x1x256xf32> to vector<256xf32>
    %broadcast_in_dim3A_333 = vector.shape_cast %get3A_332 : vector<256xf32> to vector<256x1xf32>
    %add3A_334 = vector.broadcast %broadcast_in_dim3A_333 : vector<256x1xf32> to vector<256x512xf32>
    %add3A_335 = arith.addf %dot_general3A_327, %add3A_334 : vector<256x512xf32>
    %max3A_336 = arith.constant 0.000000e+00 : f32
    %max3A_337 = vector.broadcast %max3A_336 : f32 to vector<256x512xf32>
    %max3A_338 = arith.maximumf %add3A_335, %max3A_337 : vector<256x512xf32>
    %get3A_339 = arith.constant 0 : index
    %get3A_340 = arith.constant 4 : index
    %get3A_341 = arith.constant 0 : index
    %get3A_342 = arith.constant 0 : index
    %get3A_343 = vector.load %arg12[%get3A_339, %get3A_340, %get3A_341, %get3A_342] : memref<1x6x256x256xf32, #tpu.memory_space<vmem>>, vector<1x1x256x256xf32>
    %get3A_344 = vector.shape_cast %get3A_343 : vector<1x1x256x256xf32> to vector<256x256xf32>
    %dot_general3A_345 = arith.constant dense<0.000000e+00> : vector<256x512xf32>
    %dot_general3A_346 = tpu.matmul %get3A_344, %max3A_338, %dot_general3A_345 {dimension_numbers = #tpu.dot_dimension_numbers<[0], [0], [1], [1], [0, 1, 1, 1], [], []>, transpose_lhs_hint = false} : vector<256x256xf32>, vector<256x512xf32>, vector<256x512xf32> -> vector<256x512xf32>
    %get3A_347 = arith.constant 0 : index
    %get3A_348 = arith.constant 4 : index
    %get3A_349 = arith.constant 0 : index
    %get3A_350 = vector.load %arg13[%get3A_347, %get3A_348, %get3A_349] : memref<1x6x256xf32, #tpu.memory_space<vmem>>, vector<1x1x256xf32>
    %get3A_351 = vector.shape_cast %get3A_350 : vector<1x1x256xf32> to vector<256xf32>
    %broadcast_in_dim3A_352 = vector.shape_cast %get3A_351 : vector<256xf32> to vector<256x1xf32>
    %add3A_353 = vector.broadcast %broadcast_in_dim3A_352 : vector<256x1xf32> to vector<256x512xf32>
    %add3A_354 = arith.addf %dot_general3A_346, %add3A_353 : vector<256x512xf32>
    %max3A_355 = arith.constant 0.000000e+00 : f32
    %max3A_356 = vector.broadcast %max3A_355 : f32 to vector<256x512xf32>
    %max3A_357 = arith.maximumf %add3A_354, %max3A_356 : vector<256x512xf32>
    %get3A_358 = arith.constant 0 : index
    %get3A_359 = arith.constant 5 : index
    %get3A_360 = arith.constant 0 : index
    %get3A_361 = arith.constant 0 : index
    %get3A_362 = vector.load %arg12[%get3A_358, %get3A_359, %get3A_360, %get3A_361] : memref<1x6x256x256xf32, #tpu.memory_space<vmem>>, vector<1x1x256x256xf32>
    %get3A_363 = vector.shape_cast %get3A_362 : vector<1x1x256x256xf32> to vector<256x256xf32>
    %dot_general3A_364 = arith.constant dense<0.000000e+00> : vector<256x512xf32>
    %dot_general3A_365 = tpu.matmul %get3A_363, %max3A_357, %dot_general3A_364 {dimension_numbers = #tpu.dot_dimension_numbers<[0], [0], [1], [1], [0, 1, 1, 1], [], []>, transpose_lhs_hint = false} : vector<256x256xf32>, vector<256x512xf32>, vector<256x512xf32> -> vector<256x512xf32>
    %get3A_366 = arith.constant 0 : index
    %get3A_367 = arith.constant 5 : index
    %get3A_368 = arith.constant 0 : index
    %get3A_369 = vector.load %arg13[%get3A_366, %get3A_367, %get3A_368] : memref<1x6x256xf32, #tpu.memory_space<vmem>>, vector<1x1x256xf32>
    %get3A_370 = vector.shape_cast %get3A_369 : vector<1x1x256xf32> to vector<256xf32>
    %broadcast_in_dim3A_371 = vector.shape_cast %get3A_370 : vector<256xf32> to vector<256x1xf32>
    %add3A_372 = vector.broadcast %broadcast_in_dim3A_371 : vector<256x1xf32> to vector<256x512xf32>
    %add3A_373 = arith.addf %dot_general3A_365, %add3A_372 : vector<256x512xf32>
    %max3A_374 = arith.constant 0.000000e+00 : f32
    %max3A_375 = vector.broadcast %max3A_374 : f32 to vector<256x512xf32>
    %max3A_376 = arith.maximumf %add3A_373, %max3A_375 : vector<256x512xf32>
    %dot_general3A_377 = arith.constant dense<0.000000e+00> : vector<3x512xf32>
    %dot_general3A_378 = tpu.matmul %get3A_249, %max3A_376, %dot_general3A_377 {dimension_numbers = #tpu.dot_dimension_numbers<[0], [0], [1], [1], [0, 1, 1, 1], [], []>, transpose_lhs_hint = false} : vector<256x3xf32>, vector<256x512xf32>, vector<3x512xf32> -> vector<3x512xf32>
    %broadcast_in_dim3A_379 = vector.shape_cast %get3A_254 : vector<3xf32> to vector<3x1xf32>
    %add3A_380 = vector.broadcast %broadcast_in_dim3A_379 : vector<3x1xf32> to vector<3x512xf32>
    %add3A_381 = arith.addf %dot_general3A_378, %add3A_380 : vector<3x512xf32>
    %transpose3A_382 = tpu.transpose %logistic3A_192, [1, 0] : vector<2x512xf32> -> vector<512x2xf32>
    %swap3A = arith.constant 0 : index
    %swap3A_383 = arith.constant 0 : index
    %swap3A_384 = vector.load %arg16[%swap3A, %swap3A_383] : memref<512x128xf32, #tpu.memory_space<vmem>>, vector<512x2xf32>
    tpu.vector_store %arg16[%swap3A, %swap3A_383], %transpose3A_382 {strides = array<i32>} : memref<512x128xf32, #tpu.memory_space<vmem>>, vector<512x2xf32>,
    %transpose3A_385 = tpu.transpose %add3A_381, [1, 0] : vector<3x512xf32> -> vector<512x3xf32>
    %swap3A_386 = arith.constant 0 : index
    %swap3A_387 = arith.constant 2 : index
    %swap3A_388 = vector.load %arg16[%swap3A_386, %swap3A_387] : memref<512x128xf32, #tpu.memory_space<vmem>>, vector<512x3xf32>
    tpu.vector_store %arg16[%swap3A_386, %swap3A_387], %transpose3A_385 {strides = array<i32>} : memref<512x128xf32, #tpu.memory_space<vmem>>, vector<512x3xf32>,
    return
  }
  func.func @transform_0(%arg0: i32, %arg1: memref<24xi32, #tpu.memory_space<smem>>) -> (i32, i32) {
    %c0_i32 = arith.constant 0 : i32
    %c0_i32_0 = arith.constant 0 : i32
    return %arg0, %c0_i32 : i32, i32
  }
  func.func @transform_1(%arg0: i32, %arg1: memref<24xi32, #tpu.memory_space<smem>>) -> (i32, i32) {
    %c0_i32 = arith.constant 0 : i32
    %c0_i32_0 = arith.constant 0 : i32
    %c0_i32_1 = arith.constant 0 : i32
    return %c0_i32, %c0_i32_0 : i32, i32
  }
  func.func @transform_2(%arg0: i32, %arg1: memref<24xi32, #tpu.memory_space<smem>>) -> (i32, i32, i32) {
    %get3A = arith.index_cast %arg0 : i32 to index
    %get3A_0 = memref.load %arg1[%get3A] : memref<24xi32, #tpu.memory_space<smem>>
    %c0_i32 = arith.constant 0 : i32
    %c0_i32_1 = arith.constant 0 : i32
    %c0_i32_2 = arith.constant 0 : i32
    return %get3A_0, %c0_i32, %c0_i32_1 : i32, i32, i32
  }
  func.func @transform_3(%arg0: i32, %arg1: memref<24xi32, #tpu.memory_space<smem>>) -> (i32, i32, i32) {
    %get3A = arith.index_cast %arg0 : i32 to index
    %get3A_0 = memref.load %arg1[%get3A] : memref<24xi32, #tpu.memory_space<smem>>
    %c0_i32 = arith.constant 0 : i32
    %c0_i32_1 = arith.constant 0 : i32
    %c0_i32_2 = arith.constant 0 : i32
    return %get3A_0, %c0_i32, %c0_i32_1 : i32, i32, i32
  }
  func.func @transform_4(%arg0: i32, %arg1: memref<24xi32, #tpu.memory_space<smem>>) -> (i32, i32, i32, i32) {
    %get3A = arith.index_cast %arg0 : i32 to index
    %get3A_0 = memref.load %arg1[%get3A] : memref<24xi32, #tpu.memory_space<smem>>
    %c0_i32 = arith.constant 0 : i32
    %c0_i32_1 = arith.constant 0 : i32
    %c0_i32_2 = arith.constant 0 : i32
    %c0_i32_3 = arith.constant 0 : i32
    return %get3A_0, %c0_i32, %c0_i32_1, %c0_i32_2 : i32, i32, i32, i32
  }
  func.func @transform_5(%arg0: i32, %arg1: memref<24xi32, #tpu.memory_space<smem>>) -> (i32, i32, i32) {
    %get3A = arith.index_cast %arg0 : i32 to index
    %get3A_0 = memref.load %arg1[%get3A] : memref<24xi32, #tpu.memory_space<smem>>
    %c0_i32 = arith.constant 0 : i32
    %c0_i32_1 = arith.constant 0 : i32
    %c0_i32_2 = arith.constant 0 : i32
    return %get3A_0, %c0_i32, %c0_i32_1 : i32, i32, i32
  }
  func.func @transform_6(%arg0: i32, %arg1: memref<24xi32, #tpu.memory_space<smem>>) -> (i32, i32, i32) {
    %get3A = arith.index_cast %arg0 : i32 to index
    %get3A_0 = memref.load %arg1[%get3A] : memref<24xi32, #tpu.memory_space<smem>>
    %c0_i32 = arith.constant 0 : i32
    %c0_i32_1 = arith.constant 0 : i32
    %c0_i32_2 = arith.constant 0 : i32
    return %get3A_0, %c0_i32, %c0_i32_1 : i32, i32, i32
  }
  func.func @transform_7(%arg0: i32, %arg1: memref<24xi32, #tpu.memory_space<smem>>) -> (i32, i32, i32) {
    %get3A = arith.index_cast %arg0 : i32 to index
    %get3A_0 = memref.load %arg1[%get3A] : memref<24xi32, #tpu.memory_space<smem>>
    %c0_i32 = arith.constant 0 : i32
    %c0_i32_1 = arith.constant 0 : i32
    %c0_i32_2 = arith.constant 0 : i32
    return %get3A_0, %c0_i32, %c0_i32_1 : i32, i32, i32
  }
  func.func @transform_8(%arg0: i32, %arg1: memref<24xi32, #tpu.memory_space<smem>>) -> (i32, i32, i32) {
    %get3A = arith.index_cast %arg0 : i32 to index
    %get3A_0 = memref.load %arg1[%get3A] : memref<24xi32, #tpu.memory_space<smem>>
    %c0_i32 = arith.constant 0 : i32
    %c0_i32_1 = arith.constant 0 : i32
    %c0_i32_2 = arith.constant 0 : i32
    return %get3A_0, %c0_i32, %c0_i32_1 : i32, i32, i32
  }
  func.func @transform_9(%arg0: i32, %arg1: memref<24xi32, #tpu.memory_space<smem>>) -> (i32, i32, i32) {
    %get3A = arith.index_cast %arg0 : i32 to index
    %get3A_0 = memref.load %arg1[%get3A] : memref<24xi32, #tpu.memory_space<smem>>
    %c0_i32 = arith.constant 0 : i32
    %c0_i32_1 = arith.constant 0 : i32
    %c0_i32_2 = arith.constant 0 : i32
    return %get3A_0, %c0_i32, %c0_i32_1 : i32, i32, i32
  }
  func.func @transform_10(%arg0: i32, %arg1: memref<24xi32, #tpu.memory_space<smem>>) -> (i32, i32, i32, i32) {
    %get3A = arith.index_cast %arg0 : i32 to index
    %get3A_0 = memref.load %arg1[%get3A] : memref<24xi32, #tpu.memory_space<smem>>
    %c0_i32 = arith.constant 0 : i32
    %c0_i32_1 = arith.constant 0 : i32
    %c0_i32_2 = arith.constant 0 : i32
    %c0_i32_3 = arith.constant 0 : i32
    return %get3A_0, %c0_i32, %c0_i32_1, %c0_i32_2 : i32, i32, i32, i32
  }
  func.func @transform_11(%arg0: i32, %arg1: memref<24xi32, #tpu.memory_space<smem>>) -> (i32, i32, i32) {
    %get3A = arith.index_cast %arg0 : i32 to index
    %get3A_0 = memref.load %arg1[%get3A] : memref<24xi32, #tpu.memory_space<smem>>
    %c0_i32 = arith.constant 0 : i32
    %c0_i32_1 = arith.constant 0 : i32
    %c0_i32_2 = arith.constant 0 : i32
    return %get3A_0, %c0_i32, %c0_i32_1 : i32, i32, i32
  }
  func.func @transform_12(%arg0: i32, %arg1: memref<24xi32, #tpu.memory_space<smem>>) -> (i32, i32, i32) {
    %get3A = arith.index_cast %arg0 : i32 to index
    %get3A_0 = memref.load %arg1[%get3A] : memref<24xi32, #tpu.memory_space<smem>>
    %c0_i32 = arith.constant 0 : i32
    %c0_i32_1 = arith.constant 0 : i32
    %c0_i32_2 = arith.constant 0 : i32
    return %get3A_0, %c0_i32, %c0_i32_1 : i32, i32, i32
  }
  func.func @transform_13(%arg0: i32, %arg1: memref<24xi32, #tpu.memory_space<smem>>) -> (i32, i32, i32) {
    %get3A = arith.index_cast %arg0 : i32 to index
    %get3A_0 = memref.load %arg1[%get3A] : memref<24xi32, #tpu.memory_space<smem>>
    %c0_i32 = arith.constant 0 : i32
    %c0_i32_1 = arith.constant 0 : i32
    %c0_i32_2 = arith.constant 0 : i32
    return %get3A_0, %c0_i32, %c0_i32_1 : i32, i32, i32
  }
  func.func @transform_14(%arg0: i32, %arg1: memref<24xi32, #tpu.memory_space<smem>>) -> (i32, i32) {
    %c0_i32 = arith.constant 0 : i32
    %c0_i32_0 = arith.constant 0 : i32
    return %arg0, %c0_i32 : i32, i32
  }
}

</mosaic_0001>

<sc_bundles>
// kernel: kernel.6.cloned.1.call-start
scs
__scs_entry_jumppad:
0x0: {  	(pc) =	sbr.rel $0x88, $3  }
0x1: {  	(tag) =	ssettag $0x0;
	lr =	simm.s32 $0x1  }
0x2: {  	[smem:$0x3F8D] =	sst lr;
	_ =	strace $0xD0000000  }
0x3: {  	_ = 	snop  }
0x4: {  	_ = 	snop  }
0x5: {  	_ = 	snop  }
0x6: {  	_ = 	snop  }
0x7: {  	_ = 	snop  }
__scs_overlays_trampoline_lowered:
0x8: {  	[smem:$0x3F9C] =	sst s0  }
0x9: {  	[smem:$0x3F9D] =	sst s1  }
0xa: {  	[smem:$0x3F9E] =	sst s2  }
0xb: {  	[smem:$0x3F9F] =	sst s3  }
0xc: {  	[smem:$0x3FA0] =	sst s4  }
0xd: {  	[smem:$0x3FA1] =	sst s5  }
0xe: {  	[smem:$0x3FA2] =	sst s6  }
0xf: {  	[smem:$0x3FA3] =	sst s7  }
0x10: {  	[smem:$0x3FA4] =	sst s8  }
0x11: {  	[smem:$0x3FA5] =	sst s9;
	s0 =	simm.s32 @!p0 $0x0  }
0x12: {  	s1 =	sld [smem:$0x3F8B];
	s0 =	simm.s32 @p0 $0x1  }
0x13: {  	[smem:$0x3FA6] =	sst s0;
	s0 =	simm.s32 @!p1 $0x0  }
0x14: {  	s2 =	sld [smem:$0x3F8A];
	s0 =	simm.s32 @p1 $0x1  }
0x15: {  	[smem:$0x3FA7] =	sst s0;
	s0 =	simm.s32 @!p2 $0x0  }
0x16: {  	s3 =	sld [smem:$0x3FDB];
	s0 =	simm.s32 @p2 $0x1  }
0x17: {  	s4 =	simm.s32 $0x1BF5;
	[smem:$0x3FA9] =	sst s0  }
0x18: {  	s0 =	sld [smem:$0x3F8C];
	_ =	swait.ge [sflag:s4], $0x0  }
0x19: {  	s7 =	sld [smem:$0x3F8D]  }
0x1a: {  	s8 =	sadd.s32 $0xFFFFE003, lr  }
0x1b: {  	s9 =	sadd.s32 $0xFFFFFEF7, lr;
	s5 =	simm.s32 $0xFFFFFFFF;
	p2 =	slt.u32 s8, $0xFFFFF086  }
0x1c: {  	p1 =	slt.u32 s9, $0xF7A;
	s5 =	simm.s32 @!p2 $0x0  }
0x1d: {  	s5 =	simm.s32 @p1 $0x1;
	p0 =	seq.s32 s7, s2  }
0x1e: {  	s7 =	smul.u32 @!p0 $0xF7A, s2;
	p2 =	seq.s32 @!p0 s5, $0x0  }
0x1f: {  	s9 =	smul.u32 $0xF7A, s1;
	s8 =	simm.s32 @!p0 $0x1BF5;
	p2 =	por !p2, p0  }
0x20: {  	[sflag:s8] =	ssyncset.s32 @!p0 $0xFFFFF086;
	s6 =	sadd.s32 @!p0 s3, s7;
	s7 =	simm.s32 @!p0 $0x108  }
0x21: {  	s3 =	sadd.s32 s3, s9;
	s6 =	sadd.s32 @!p0 $0x88, s6;
	s7 =	simm.s32 @p2 $0x1082  }
0x22: {  	[simem:s7], [sflag:s8] =	dma.local @!p0 [hbm:s6], $0xF7A  }
0x23: {  	s9 =	sor.u32 $0xD0000000, s2;
	s6 =	simm.s32 $0x108;
	_ =	swait.ge @!p0 [sflag:s8], $0x0  }
0x24: {  	s3 =	sadd.s32 $0x88, s3;
	s6 =	simm.s32 @!p1 $0x1082;
	[sflag:s4] =	ssyncset.s32 $0xFFFFF086  }
0x25: {  	[simem:s6], [sflag:s4] =	dma.local [hbm:s3], $0xF7A  }
0x26: {  	[smem:$0x3F8D] =	sst s1;
	(tag) =	ssettag s2;
	_ =	strace s9  }
0x27: {  	s1 =	sld [smem:$0x3F9D]  }
0x28: {  	s2 =	sld [smem:$0x3F9E]  }
0x29: {  	s4 =	sld [smem:$0x3FA0]  }
0x2a: {  	p0 =	seq.s32 s5, $0x0;
	s5 =	sld [smem:$0x3FA1]  }
0x2b: {  	s6 =	sld [smem:$0x3FA2]  }
0x2c: {  	s7 =	sld [smem:$0x3FA3]  }
0x2d: {  	s3 =	simm.s32 $0x108;
	s8 =	sld [smem:$0x3FA4]  }
0x2e: {  	s3 =	simm.s32 @!p0 $0x1082;
	s9 =	sld [smem:$0x3FA5]  }
0x2f: {  	lr =	sadd.s32 s0, s3;
	s0 =	sld [smem:$0x3F9C]  }
0x30: {  	s3 =	sld [smem:$0x3F9F]  }
0x31: {  	[smem:$0x3FA8] =	sst s10  }
0x32: {  	s10 =	sld [smem:$0x3FA6];
	_ =	sdelay $0x3  }
0x33: {  	p0 =	seq.s32 s10, $0x1;
	s10 =	sld [smem:$0x3FA8];
	_ =	sdelay $0x3  }
0x34: {  	[smem:$0x3FA8] =	sst s10  }
0x35: {  	s10 =	sld [smem:$0x3FA7];
	_ =	sdelay $0x3  }
0x36: {  	p1 =	seq.s32 s10, $0x1;
	s10 =	sld [smem:$0x3FA8];
	_ =	sdelay $0x3  }
0x37: {  	[smem:$0x3FA8] =	sst s10  }
0x38: {  	s10 =	sld [smem:$0x3FA9]  }
0x39: {  	_ = 	snop;
	(pc) =	sbr.ind lr, $3  }
0x3a: {  	_ = 	snop  }
0x3b: {  	_ = 	snop  }
0x3c: {  	p2 =	seq.s32 s10, $0x1;
	s10 =	sld [smem:$0x3FA8]  }
0x3d: {  	_ =	shalt  }
0x3e: {  	_ =	shalt  }
0x3f: {  	_ =	shalt  }
0x40: {  	_ =	shalt  }
0x41: {  	_ =	shalt  }
0x42: {  	_ =	shalt  }
0x43: {  	_ =	shalt  }
0x44: {  	_ =	shalt  }
0x45: {  	_ =	shalt  }
0x46: {  	_ =	shalt  }
0x47: {  	_ =	shalt  }
0x48: {  	_ =	shalt  }
0x49: {  	_ =	shalt  }
0x4a: {  	_ =	shalt  }
0x4b: {  	_ =	shalt  }
0x4c: {  	_ =	shalt  }
0x4d: {  	_ =	shalt  }
0x4e: {  	_ =	shalt  }
0x4f: {  	_ =	shalt  }
0x50: {  	_ =	shalt  }
0x51: {  	_ =	shalt  }
0x52: {  	_ =	shalt  }
0x53: {  	_ =	shalt  }
0x54: {  	_ =	shalt  }
0x55: {  	_ =	shalt  }
0x56: {  	_ =	shalt  }
0x57: {  	_ =	shalt  }
0x58: {  	_ =	shalt  }
0x59: {  	_ =	shalt  }
0x5a: {  	_ =	shalt  }
0x5b: {  	_ =	shalt  }
0x5c: {  	_ =	shalt  }
0x5d: {  	_ =	shalt  }
0x5e: {  	_ =	shalt  }
0x5f: {  	_ =	shalt  }
0x60: {  	_ =	shalt  }
0x61: {  	_ =	shalt  }
0x62: {  	_ =	shalt  }
0x63: {  	_ =	shalt  }
0x64: {  	_ =	shalt  }
0x65: {  	_ =	shalt  }
0x66: {  	_ =	shalt  }
0x67: {  	_ =	shalt  }
0x68: {  	_ =	shalt  }
0x69: {  	_ =	shalt  }
0x6a: {  	_ =	shalt  }
0x6b: {  	_ =	shalt  }
0x6c: {  	_ =	shalt  }
0x6d: {  	_ =	shalt  }
0x6e: {  	_ =	shalt  }
0x6f: {  	_ =	shalt  }
0x70: {  	_ =	shalt  }
0x71: {  	_ =	shalt  }
0x72: {  	_ =	shalt  }
0x73: {  	_ =	shalt  }
0x74: {  	_ =	shalt  }
0x75: {  	_ =	shalt  }
0x76: {  	_ =	shalt  }
0x77: {  	_ =	shalt  }
0x78: {  	_ =	shalt  }
0x79: {  	_ =	shalt  }
0x7a: {  	_ =	shalt  }
0x7b: {  	_ =	shalt  }
0x7c: {  	_ =	shalt  }
0x7d: {  	_ =	shalt  }
0x7e: {  	_ =	shalt  }
0x7f: {  	_ =	shalt  }
0x80: {  	_ =	shalt  }
0x81: {  	_ =	shalt  }
0x82: {  	_ =	shalt  }
0x83: {  	_ =	shalt  }
0x84: {  	_ =	shalt  }
0x85: {  	_ =	shalt  }
0x86: {  	_ =	shalt  }
0x87: {  	_ =	shalt  }
.Lfunc_end0:
.L_simem_size_0:
called_computation_lowered:
.L_overlay_start_0:
0x88: {  	s2 =	sld [smem:$0x3FD9]  }
0x89: {  	s3 =	sld [smem:$0x3FFE];
	_ =	sdelay $0x1  }
0x8a: {  	s1 =	srdreg.scid  }
0x8b: {  	s0 =	sand.u32 $0x1, s1  }
0x8c: {  	s17 =	sshll.u32 s0, $0xA;
	s2 =	sadd.s32 s3, s2  }
0x8d: {  	s2 =	sadd.s32 s2, s17  }
0x8e: {  	[smem:$0x3FB4] =	sst s2  }
0x8f: {  	_ = 	snop  }
0x90: {  	s2 =	sld [smem:$0x3FD0];
	(tm) =	ssettm $0x1  }
0x91: {  	s18 =	sld [smem:$0x3FFB];
	_ =	sdelay $0x3  }
0x92: {  	_ =	strace s18  }
0x93: {  	s3 =	sld [smem:$0x3FFC];
	_ =	sdelay $0x3  }
0x94: {  	_ =	strace s3  }
0x95: {  	s3 =	sld [smem:$0x3FFD];
	_ =	sdelay $0x3  }
0x96: {  	_ =	strace s3  }
0x97: {  	_ =	strace $0x8FFFFFFF  }
0x98: {  	s19 =	sld [smem:$0x3FDB];
	_ =	sdelay $0x1  }
0x99: {  	s4 =	simm.s32 $_scs_section_size  }
0x9a: {  	s5 =	simm.s32 $_size__tile_overlayer_lowered;
	s6 =	simm.s32 $_tile_overlayer_lowered  }
0x9b: {  	s22 =	simm.s32 $0x1BFF;
	s21 =	sshll.u32 s6, $0x1;
	s3 =	sadd.s32 s4, s19  }
0x9c: {  	s7 =	simm.s32 $0x0;
	s20 =	sshll.u32 s5, $0x1;
	s5 =	sadd.s32 s21, s3  }
0x9d: {  	[timem:s7], [sflag:s22] =	dma.local [hbm:s5], s20  }
0x9e: {  	_ =	swait.ge [sflag:s22], s20  }
0x9f: {  	s4 =	ssub.s32 $0x0, s20;
	[sflag:s22] =	ssyncset.done $0x0  }
0xa0: {  	[sflag:s22] =	ssyncadd.s32 s4;
	_ =	sdelay $0x1  }
0xa1: {  	s23 =	simm.s32 $0x1B8B  }
0xa2: {  	_ =	swait.ge [sflag:s23], $0x1  }
0xa3: {  	[sflag:s23] =	ssyncset.done $0x0  }
0xa4: {  	s25 =	simm.s32 $0x1B8E;
	s24 =	sld [smem:$0x3FFE];
	[sflag:s23] =	ssyncadd.s32 $0xFFFFFFFF  }
0xa5: {  	s26 =	simm.s32 $execute0_lowered;
	[smem:$0x3FD2] =	sst s25  }
0xa6: {  	s5 =	sshll.u32 s26, $0x1;
	_ =	strace $0x80000046;
	[dreg:$0x1] =	wrdreg $0xFFFFFFFF  }
0xa7: {  	s28 =	simm.s32 $_size_execute0_lowered;
	s3 =	sadd.s32 s3, s5;
	[dreg:$0x0] =	wrdreg $0x0  }
0xa8: {  	s5 =	sshll.u32 s28, $0x1;
	[dreg:$0x2] =	wrdreg s3  }
0xa9: {  	[dreg:$0x3] =	wrdreg s5  }
0xaa: {  	[dreg:$0x4] =	wrdreg $0xC0  }
0xab: {  	_ =	task [dreg:s7], $0x5FFFF  }
0xac: {  	[dreg:$0x1] =	wrdreg $0xFFFFFFFF  }
0xad: {  	[dreg:$0x0] =	wrdreg $0x60  }
0xae: {  	[dreg:$0x2] =	wrdreg s24  }
0xaf: {  	[dreg:$0x3] =	wrdreg s2  }
0xb0: {  	[dreg:$0x4] =	wrdreg $0x9  }
0xb1: {  	_ =	task.clear_ibuf [dreg:s7], $0x5FFFF;
	_ =	strace $0x90000046  }
0xb2: {  	s29 =	simm.s32 $0x9;
	_ =	strace $0x80000048  }
0xb3: {  	_ =	swait.ge [sflag:s29], $0x1  }
0xb4: {  	[sflag:s29] =	ssyncadd.s32 $0xFFFFFFFF  }
0xb5: {  	_ =	strace $0x90000048  }
0xb6: {  	_ =	sfence  }
0xb7: {  	s30 =	sld [smem:$0x0];
	_ =	sdelay $0x2  }
0xb8: {  	s31 =	sshll.u32 s1, $0xD;
	s1 =	sshrl.u32 s1, $0x2  }
0xb9: {  	s3 =	sand.u32 $0x4000, s31;
	s1 =	sadd.s32 s1, s30  }
0xba: {  	s0 =	sor.u32 s3, s0;
	s1 =	sshll.u32 s1, $0x11  }
0xbb: {  	s0 =	sor.u32 s1, s0  }
0xbc: {  	s0 =	sadd.s32 $0x8F2B, s0  }
0xbd: {  	[sflag:s0] =	ssyncadd.remote.s32 $0x1  }
0xbe: {  	_ =	sfence.sel $0xFFFF  }
0xbf: {  	[dreg:$0x0] =	wrdreg $0xFFFFFFFF;
	(pc) =	sbr.abs _section_cstart, $3  }
0xc0: {  	[dreg:$0x1] =	wrdreg $0xFFFFFFFF  }
0xc1: {  	_ =	task.clear_ibuf [dreg:s7], $0x2FFFF;
	_ =	strace $0x9FFFFFFF  }
0xc2: {  	(tm) =	ssettm $0x7FFFFFFF  }
0xc3: {  	_ =	shalt  }
tec
execute0_lowered:
.L_overlay_start_1:
0x0: {  	(tag) =	ssettag $0x1  }
0x1: {  	s7 =	rddreg [dreg:$0x0]  }
0x2: {  	s1 =	srdreg.scid;
	s0 =	stileid.u32  }
0x3: {  	s3 =	rddreg [dreg:$0x1];
	s8 =	sand.u32 $0x1, s1;
	s4 =	sshll.u32 s0, $0x1  }
0x4: {  	s2 =	simm.s32 $0x0;
	s1 =	rddreg [dreg:$0x2];
	s5 =	sor.u32 s8, s4  }
0x5: {  	[smem:$0x7FF] =	sst s2;
	s4 =	sshll.u32 s5, $0x5  }
0x6: {  	_ =	strace $0x80000047;
	s3 =	sadd.s32 s3, s4;
	s4 =	simm.s32 $0x2  }
0x7: {  	[tilespmem:s2], [sflag:$0x2] =	stream.linear.gather [hbm4b:s3+s2], $0x100, $0x38;
	[tilespmem:$0x8100] =	vst v63  }
0x8: {  	s5 =	sshll.u32 s5, $0xC;
	_ =	swait.ge [sflag:s4], $0x100  }
0x9: {  	s6 =	simm.s32 $0x100;
	s5 =	sadd.s32 s5, s7;
	[sflag:s4] =	ssyncset.done $0x0  }
0xa: {  	s10 =	ssub.s32 $0x2, s8;
	s5 =	sadd.s32 $0x3200, s5;
	[sflag:s4] =	ssyncadd.s32 $0xFFFFFF00  }
0xb: {  	[tilespmem:s6], [sflag:$0x2] =	stream.linear.gather [hbm4b:s5+s2], $0x8000, $0x38;
	[tilespmem:$0x8100] =	vst v63  }
0xc: {  	s9 =	simm.s32 $0x80;
	s11 =	sshrl.u32 s10, $0x1;
	_ =	swait.ge [sflag:s4], $0x8000  }
0xd: {  	s8 =	simm.s32 $0x1;
	s10 =	ssub.s32 s10, s11;
	[sflag:s4] =	ssyncset.done $0x0  }
0xe: {  	s7 =	sadd.s32 $0x23200, s7;
	s11 =	smax.u32 s10, $0x1;
	[sflag:s4] =	ssyncadd.s32 $0xFFFF8000  }
0xf: {  	[hbm4b:s7+s9] =	stream.indirect.scatter [tilespmem:s6], [sflag:$0x1], $0x80, s2, s9, $0xb8;
	[tilespmem:$0x8100] =	vst v63  }
0x10: {  	p0 =	sne.s32 s11, $0x1;
	_ =	swait.ge [sflag:s8], $0x4000  }
.Ltmp0:
0x11: {  	[sflag:s8] =	ssyncset.done $0x0;
	(pc) =	sbr.rel @!p0 .LBB2_2-.Ltmp0, $4  }
0x12: {  	s10 =	simm.s32 $0x4100;
	[sflag:s8] =	ssyncadd.s32 $0xFFFFC000  }
0x13: {  	[hbm4b:s7+s9] =	stream.indirect.scatter [tilespmem:s10], [sflag:$0x1], $0x80, s9, s9, $0xb8;
	[tilespmem:$0x8100] =	vst v63  }
0x14: {  	_ =	swait.ge [sflag:s8], $0x4000  }
0x15: {  	s11 =	sadd.s32 $0xFFFFFFFF, s11;
	[sflag:s8] =	ssyncset.done $0x0  }
.LBB2_1:
0x16: {  	p0 =	sne.s32 s11, $0x1;
	s11 =	sadd.s32 $0xFFFFFFFF, s11;
	[sflag:s8] =	ssyncadd.s32 $0xFFFFC000  }
0x17: {  	[tilespmem:s2], [sflag:$0x2] =	stream.linear.gather [hbm4b:s3+s2], $0x100, $0x38;
	[tilespmem:$0x8100] =	vst v63  }
0x18: {  	_ =	swait.ge [sflag:s4], $0x100  }
0x19: {  	[sflag:s4] =	ssyncset.done $0x0  }
0x1a: {  	[sflag:s4] =	ssyncadd.s32 $0xFFFFFF00  }
0x1b: {  	[tilespmem:s6], [sflag:$0x2] =	stream.linear.gather [hbm4b:s5+s2], $0x8000, $0x38;
	[tilespmem:$0x8100] =	vst v63  }
0x1c: {  	_ =	swait.ge [sflag:s4], $0x8000  }
0x1d: {  	[sflag:s4] =	ssyncset.done $0x0  }
0x1e: {  	[sflag:s4] =	ssyncadd.s32 $0xFFFF8000  }
0x1f: {  	[hbm4b:s7+s9] =	stream.indirect.scatter [tilespmem:s6], [sflag:$0x1], $0x80, s2, s9, $0xb8;
	[tilespmem:$0x8100] =	vst v63  }
0x20: {  	_ =	swait.ge [sflag:s8], $0x4000  }
.Ltmp1:
0x21: {  	[sflag:s8] =	ssyncset.done $0x0;
	(pc) =	sbr.rel @p0 .LBB2_1-.Ltmp1, $4  }
0x22: {  	[sflag:s8] =	ssyncadd.s32 $0xFFFFC000  }
0x23: {  	[hbm4b:s7+s9] =	stream.indirect.scatter [tilespmem:s10], [sflag:$0x1], $0x80, s9, s9, $0xb8;
	[tilespmem:$0x8100] =	vst v63  }
0x24: {  	_ =	swait.ge [sflag:s8], $0x4000  }
0x25: {  	[sflag:s8] =	ssyncset.done $0x0  }
.LBB2_2:
0x26: {  	[sflag:s8] =	ssyncadd.s32 $0xFFFFC000  }
0x27: {  	_ =	sfence.sel $0x180000  }
0x28: {  	[bflag:$0x0] =	sbarrier.arrive $0xFFFF  }
0x29: {  	p0 =	sne.s32 s0, $0x0;
	_ =	strace $0x90000047  }
0x2a: {  	s0 =	sadd.s32 @!p0 $0x100000, s1;
	[bflag:$0x2] =	sbarrier.arrive $0xFFFF  }
0x2b: {  	[sflag:s0] =	ssyncadd.tile.s32 @!p0 $0x1;
	_ =	shalt  }
.Lfunc_end2:
_tile_overlayer_lowered:
.L_overlay_start_2:
0x2c: {  	(tag) =	ssettag $0x2  }
0x2d: {  	s0 =	rddreg [dreg:$0x0];
	s2 =	stileid.u32  }
0x2e: {  	s1 =	rddreg [dreg:$0x1];
	p0 =	sne.s32 s2, $0x0  }
0x2f: {  	s3 =	rddreg [dreg:$0x2];
	[bflag:$0x3] =	sbarrier.arrive $0xFFFF;
	s2 =	simm.s32 @!p0 $0x1C02  }
0x30: {  	[timem:s3], [sflag:s2] =	dma.local @!p0 [hbm:s0], s1  }
0x31: {  	s0 =	simm.s32 @!p0 $0x2  }
0x32: {  	_ =	swait.ge @!p0 [sflag:s0], s1  }
0x33: {  	s1 =	ssub.s32 @!p0 $0x0, s1;
	[sflag:s0] =	ssyncset.done @!p0 $0x0  }
0x34: {  	[sflag:s0] =	ssyncadd.s32 @!p0 s1  }
0x35: {  	[bflag:$0x3] =	sbarrier.arrive $0xFFFF  }
0x36: {  	_ =	shalt  }

// kernel: kernel.9.cloned.1.call-start
scs
__scs_entry_jumppad:
0x0: {  	(pc) =	sbr.rel $0x88, $3  }
0x1: {  	(tag) =	ssettag $0x0;
	lr =	simm.s32 $0x1  }
0x2: {  	[smem:$0x3F8D] =	sst lr;
	_ =	strace $0xD0000000  }
0x3: {  	_ = 	snop  }
0x4: {  	_ = 	snop  }
0x5: {  	_ = 	snop  }
0x6: {  	_ = 	snop  }
0x7: {  	_ = 	snop  }
__scs_overlays_trampoline_lowered:
0x8: {  	[smem:$0x3F9C] =	sst s0  }
0x9: {  	[smem:$0x3F9D] =	sst s1  }
0xa: {  	[smem:$0x3F9E] =	sst s2  }
0xb: {  	[smem:$0x3F9F] =	sst s3  }
0xc: {  	[smem:$0x3FA0] =	sst s4  }
0xd: {  	[smem:$0x3FA1] =	sst s5  }
0xe: {  	[smem:$0x3FA2] =	sst s6  }
0xf: {  	[smem:$0x3FA3] =	sst s7  }
0x10: {  	[smem:$0x3FA4] =	sst s8  }
0x11: {  	[smem:$0x3FA5] =	sst s9;
	s0 =	simm.s32 @!p0 $0x0  }
0x12: {  	s1 =	sld [smem:$0x3F8B];
	s0 =	simm.s32 @p0 $0x1  }
0x13: {  	[smem:$0x3FA6] =	sst s0;
	s0 =	simm.s32 @!p1 $0x0  }
0x14: {  	s2 =	sld [smem:$0x3F8A];
	s0 =	simm.s32 @p1 $0x1  }
0x15: {  	[smem:$0x3FA7] =	sst s0;
	s0 =	simm.s32 @!p2 $0x0  }
0x16: {  	s3 =	sld [smem:$0x3FDB];
	s0 =	simm.s32 @p2 $0x1  }
0x17: {  	s4 =	simm.s32 $0x1BF5;
	[smem:$0x3FA9] =	sst s0  }
0x18: {  	s0 =	sld [smem:$0x3F8C];
	_ =	swait.ge [sflag:s4], $0x0  }
0x19: {  	s7 =	sld [smem:$0x3F8D]  }
0x1a: {  	s8 =	sadd.s32 $0xFFFFE003, lr  }
0x1b: {  	s9 =	sadd.s32 $0xFFFFFEF7, lr;
	s5 =	simm.s32 $0xFFFFFFFF;
	p2 =	slt.u32 s8, $0xFFFFF086  }
0x1c: {  	p1 =	slt.u32 s9, $0xF7A;
	s5 =	simm.s32 @!p2 $0x0  }
0x1d: {  	s5 =	simm.s32 @p1 $0x1;
	p0 =	seq.s32 s7, s2  }
0x1e: {  	s7 =	smul.u32 @!p0 $0xF7A, s2;
	p2 =	seq.s32 @!p0 s5, $0x0  }
0x1f: {  	s9 =	smul.u32 $0xF7A, s1;
	s8 =	simm.s32 @!p0 $0x1BF5;
	p2 =	por !p2, p0  }
0x20: {  	[sflag:s8] =	ssyncset.s32 @!p0 $0xFFFFF086;
	s6 =	sadd.s32 @!p0 s3, s7;
	s7 =	simm.s32 @!p0 $0x108  }
0x21: {  	s3 =	sadd.s32 s3, s9;
	s6 =	sadd.s32 @!p0 $0x88, s6;
	s7 =	simm.s32 @p2 $0x1082  }
0x22: {  	[simem:s7], [sflag:s8] =	dma.local @!p0 [hbm:s6], $0xF7A  }
0x23: {  	s9 =	sor.u32 $0xD0000000, s2;
	s6 =	simm.s32 $0x108;
	_ =	swait.ge @!p0 [sflag:s8], $0x0  }
0x24: {  	s3 =	sadd.s32 $0x88, s3;
	s6 =	simm.s32 @!p1 $0x1082;
	[sflag:s4] =	ssyncset.s32 $0xFFFFF086  }
0x25: {  	[simem:s6], [sflag:s4] =	dma.local [hbm:s3], $0xF7A  }
0x26: {  	[smem:$0x3F8D] =	sst s1;
	(tag) =	ssettag s2;
	_ =	strace s9  }
0x27: {  	s1 =	sld [smem:$0x3F9D]  }
0x28: {  	s2 =	sld [smem:$0x3F9E]  }
0x29: {  	s4 =	sld [smem:$0x3FA0]  }
0x2a: {  	p0 =	seq.s32 s5, $0x0;
	s5 =	sld [smem:$0x3FA1]  }
0x2b: {  	s6 =	sld [smem:$0x3FA2]  }
0x2c: {  	s7 =	sld [smem:$0x3FA3]  }
0x2d: {  	s3 =	simm.s32 $0x108;
	s8 =	sld [smem:$0x3FA4]  }
0x2e: {  	s3 =	simm.s32 @!p0 $0x1082;
	s9 =	sld [smem:$0x3FA5]  }
0x2f: {  	lr =	sadd.s32 s0, s3;
	s0 =	sld [smem:$0x3F9C]  }
0x30: {  	s3 =	sld [smem:$0x3F9F]  }
0x31: {  	[smem:$0x3FA8] =	sst s10  }
0x32: {  	s10 =	sld [smem:$0x3FA6];
	_ =	sdelay $0x3  }
0x33: {  	p0 =	seq.s32 s10, $0x1;
	s10 =	sld [smem:$0x3FA8];
	_ =	sdelay $0x3  }
0x34: {  	[smem:$0x3FA8] =	sst s10  }
0x35: {  	s10 =	sld [smem:$0x3FA7];
	_ =	sdelay $0x3  }
0x36: {  	p1 =	seq.s32 s10, $0x1;
	s10 =	sld [smem:$0x3FA8];
	_ =	sdelay $0x3  }
0x37: {  	[smem:$0x3FA8] =	sst s10  }
0x38: {  	s10 =	sld [smem:$0x3FA9]  }
0x39: {  	_ = 	snop;
	(pc) =	sbr.ind lr, $3  }
0x3a: {  	_ = 	snop  }
0x3b: {  	_ = 	snop  }
0x3c: {  	p2 =	seq.s32 s10, $0x1;
	s10 =	sld [smem:$0x3FA8]  }
0x3d: {  	_ =	shalt  }
0x3e: {  	_ =	shalt  }
0x3f: {  	_ =	shalt  }
0x40: {  	_ =	shalt  }
0x41: {  	_ =	shalt  }
0x42: {  	_ =	shalt  }
0x43: {  	_ =	shalt  }
0x44: {  	_ =	shalt  }
0x45: {  	_ =	shalt  }
0x46: {  	_ =	shalt  }
0x47: {  	_ =	shalt  }
0x48: {  	_ =	shalt  }
0x49: {  	_ =	shalt  }
0x4a: {  	_ =	shalt  }
0x4b: {  	_ =	shalt  }
0x4c: {  	_ =	shalt  }
0x4d: {  	_ =	shalt  }
0x4e: {  	_ =	shalt  }
0x4f: {  	_ =	shalt  }
0x50: {  	_ =	shalt  }
0x51: {  	_ =	shalt  }
0x52: {  	_ =	shalt  }
0x53: {  	_ =	shalt  }
0x54: {  	_ =	shalt  }
0x55: {  	_ =	shalt  }
0x56: {  	_ =	shalt  }
0x57: {  	_ =	shalt  }
0x58: {  	_ =	shalt  }
0x59: {  	_ =	shalt  }
0x5a: {  	_ =	shalt  }
0x5b: {  	_ =	shalt  }
0x5c: {  	_ =	shalt  }
0x5d: {  	_ =	shalt  }
0x5e: {  	_ =	shalt  }
0x5f: {  	_ =	shalt  }
0x60: {  	_ =	shalt  }
0x61: {  	_ =	shalt  }
0x62: {  	_ =	shalt  }
0x63: {  	_ =	shalt  }
0x64: {  	_ =	shalt  }
0x65: {  	_ =	shalt  }
0x66: {  	_ =	shalt  }
0x67: {  	_ =	shalt  }
0x68: {  	_ =	shalt  }
0x69: {  	_ =	shalt  }
0x6a: {  	_ =	shalt  }
0x6b: {  	_ =	shalt  }
0x6c: {  	_ =	shalt  }
0x6d: {  	_ =	shalt  }
0x6e: {  	_ =	shalt  }
0x6f: {  	_ =	shalt  }
0x70: {  	_ =	shalt  }
0x71: {  	_ =	shalt  }
0x72: {  	_ =	shalt  }
0x73: {  	_ =	shalt  }
0x74: {  	_ =	shalt  }
0x75: {  	_ =	shalt  }
0x76: {  	_ =	shalt  }
0x77: {  	_ =	shalt  }
0x78: {  	_ =	shalt  }
0x79: {  	_ =	shalt  }
0x7a: {  	_ =	shalt  }
0x7b: {  	_ =	shalt  }
0x7c: {  	_ =	shalt  }
0x7d: {  	_ =	shalt  }
0x7e: {  	_ =	shalt  }
0x7f: {  	_ =	shalt  }
0x80: {  	_ =	shalt  }
0x81: {  	_ =	shalt  }
0x82: {  	_ =	shalt  }
0x83: {  	_ =	shalt  }
0x84: {  	_ =	shalt  }
0x85: {  	_ =	shalt  }
0x86: {  	_ =	shalt  }
0x87: {  	_ =	shalt  }
.Lfunc_end0:
.L_simem_size_0:
called_computation.1_lowered:
.L_overlay_start_0:
0x88: {  	s2 =	sld [smem:$0x3FD9]  }
0x89: {  	s3 =	sld [smem:$0x3FFE];
	_ =	sdelay $0x1  }
0x8a: {  	s1 =	srdreg.scid  }
0x8b: {  	s0 =	sand.u32 $0x1, s1  }
0x8c: {  	s17 =	sshll.u32 s0, $0xA;
	s2 =	sadd.s32 s3, s2  }
0x8d: {  	s2 =	sadd.s32 s2, s17  }
0x8e: {  	[smem:$0x3FB4] =	sst s2  }
0x8f: {  	_ = 	snop  }
0x90: {  	s2 =	sld [smem:$0x3FD0];
	(tm) =	ssettm $0x1  }
0x91: {  	s18 =	sld [smem:$0x3FFB];
	_ =	sdelay $0x3  }
0x92: {  	_ =	strace s18  }
0x93: {  	s3 =	sld [smem:$0x3FFC];
	_ =	sdelay $0x3  }
0x94: {  	_ =	strace s3  }
0x95: {  	s3 =	sld [smem:$0x3FFD];
	_ =	sdelay $0x3  }
0x96: {  	_ =	strace s3  }
0x97: {  	_ =	strace $0x8FFFFFFF  }
0x98: {  	s19 =	sld [smem:$0x3FDB];
	_ =	sdelay $0x1  }
0x99: {  	s4 =	simm.s32 $_scs_section_size  }
0x9a: {  	s5 =	simm.s32 $_size__tile_overlayer_lowered;
	s6 =	simm.s32 $_tile_overlayer_lowered  }
0x9b: {  	s22 =	simm.s32 $0x1BFF;
	s21 =	sshll.u32 s6, $0x1;
	s3 =	sadd.s32 s4, s19  }
0x9c: {  	s7 =	simm.s32 $0x0;
	s20 =	sshll.u32 s5, $0x1;
	s5 =	sadd.s32 s21, s3  }
0x9d: {  	[timem:s7], [sflag:s22] =	dma.local [hbm:s5], s20  }
0x9e: {  	_ =	swait.ge [sflag:s22], s20  }
0x9f: {  	s4 =	ssub.s32 $0x0, s20;
	[sflag:s22] =	ssyncset.done $0x0  }
0xa0: {  	[sflag:s22] =	ssyncadd.s32 s4;
	_ =	sdelay $0x1  }
0xa1: {  	s23 =	simm.s32 $0x1B8B  }
0xa2: {  	_ =	swait.ge [sflag:s23], $0x1  }
0xa3: {  	[sflag:s23] =	ssyncset.done $0x0  }
0xa4: {  	s25 =	simm.s32 $0x1B8E;
	s24 =	sld [smem:$0x3FFE];
	[sflag:s23] =	ssyncadd.s32 $0xFFFFFFFF  }
0xa5: {  	s26 =	simm.s32 $execute0_lowered;
	[smem:$0x3FD2] =	sst s25  }
0xa6: {  	s5 =	sshll.u32 s26, $0x1;
	_ =	strace $0x80000049;
	[dreg:$0x1] =	wrdreg $0xFFFFFFFF  }
0xa7: {  	s28 =	simm.s32 $_size_execute0_lowered;
	s3 =	sadd.s32 s3, s5;
	[dreg:$0x0] =	wrdreg $0x0  }
0xa8: {  	s5 =	sshll.u32 s28, $0x1;
	[dreg:$0x2] =	wrdreg s3  }
0xa9: {  	[dreg:$0x3] =	wrdreg s5  }
0xaa: {  	[dreg:$0x4] =	wrdreg $0xC0  }
0xab: {  	_ =	task [dreg:s7], $0x5FFFF  }
0xac: {  	[dreg:$0x1] =	wrdreg $0xFFFFFFFF  }
0xad: {  	[dreg:$0x0] =	wrdreg $0x60  }
0xae: {  	[dreg:$0x2] =	wrdreg s24  }
0xaf: {  	[dreg:$0x3] =	wrdreg s2  }
0xb0: {  	[dreg:$0x4] =	wrdreg $0x9  }
0xb1: {  	_ =	task.clear_ibuf [dreg:s7], $0x5FFFF;
	_ =	strace $0x90000049  }
0xb2: {  	s29 =	simm.s32 $0x9;
	_ =	strace $0x8000004B  }
0xb3: {  	_ =	swait.ge [sflag:s29], $0x1  }
0xb4: {  	[sflag:s29] =	ssyncadd.s32 $0xFFFFFFFF  }
0xb5: {  	_ =	strace $0x9000004B  }
0xb6: {  	_ =	sfence  }
0xb7: {  	s30 =	sld [smem:$0x0];
	_ =	sdelay $0x2  }
0xb8: {  	s31 =	sshll.u32 s1, $0xD;
	s1 =	sshrl.u32 s1, $0x2  }
0xb9: {  	s3 =	sand.u32 $0x4000, s31;
	s1 =	sadd.s32 s1, s30  }
0xba: {  	s0 =	sor.u32 s3, s0;
	s1 =	sshll.u32 s1, $0x11  }
0xbb: {  	s0 =	sor.u32 s1, s0  }
0xbc: {  	s0 =	sadd.s32 $0x8F2B, s0  }
0xbd: {  	[sflag:s0] =	ssyncadd.remote.s32 $0x1  }
0xbe: {  	_ =	sfence.sel $0xFFFF  }
0xbf: {  	[dreg:$0x0] =	wrdreg $0xFFFFFFFF;
	(pc) =	sbr.abs _section_cstart, $3  }
0xc0: {  	[dreg:$0x1] =	wrdreg $0xFFFFFFFF  }
0xc1: {  	_ =	task.clear_ibuf [dreg:s7], $0x2FFFF;
	_ =	strace $0x9FFFFFFF  }
0xc2: {  	(tm) =	ssettm $0x7FFFFFFF  }
0xc3: {  	_ =	shalt  }
tec
execute0_lowered:
.L_overlay_start_1:
0x0: {  	(tag) =	ssettag $0x1  }
0x1: {  	s10 =	rddreg [dreg:$0x0]  }
0x2: {  	s1 =	srdreg.scid;
	s0 =	stileid.u32  }
0x3: {  	s3 =	rddreg [dreg:$0x1];
	s9 =	sand.u32 $0x1, s1;
	s4 =	sshll.u32 s0, $0x1  }
0x4: {  	s2 =	simm.s32 $0x0;
	s1 =	rddreg [dreg:$0x2];
	s11 =	sor.u32 s9, s4  }
0x5: {  	[smem:$0x7FF] =	sst s2;
	s4 =	sshll.u32 s11, $0x5  }
0x6: {  	_ =	strace $0x8000004A;
	s4 =	sadd.s32 s3, s4;
	s3 =	simm.s32 $0x2  }
0x7: {  	[tilespmem:s2], [sflag:$0x2] =	stream.linear.gather [hbm4b:s4+s2], $0x100, $0x38;
	[tilespmem:$0x8100] =	vst v63  }
0x8: {  	s6 =	simm.s32 $0x80;
	_ =	swait.ge [sflag:s3], $0x100  }
0x9: {  	s7 =	simm.s32 $0x100;
	s8 =	simm.s32 $0x1;
	[sflag:s3] =	ssyncset.done $0x0  }
0xa: {  	s5 =	sadd.s32 $0x3200, s10;
	s12 =	ssub.s32 $0x2, s9;
	[sflag:s3] =	ssyncadd.s32 $0xFFFFFF00  }
0xb: {  	[tilespmem:s7], [sflag:$0x1] =	stream.indirect.gather [hbm4b:s5+s6], $0x80, s2, s6, $0xb8;
	[tilespmem:$0x8100] =	vst v63  }
0xc: {  	s9 =	simm.s32 $0x4100;
	s13 =	sshrl.u32 s12, $0x1;
	_ =	swait.ge [sflag:s8], $0x4000  }
0xd: {  	s11 =	sshll.u32 s11, $0xC;
	s31 =	ssub.s32 s12, s13;
	[sflag:s8] =	ssyncset.done $0x0  }
0xe: {  	s10 =	sadd.s32 s11, s10;
	s11 =	smax.u32 s31, $0x1;
	[sflag:s8] =	ssyncadd.s32 $0xFFFFC000  }
0xf: {  	[tilespmem:s9], [sflag:$0x1] =	stream.indirect.gather [hbm4b:s5+s6], $0x80, s6, s6, $0xb8;
	[tilespmem:$0x8100] =	vst v63  }
0x10: {  	p0 =	sne.s32 s11, $0x1;
	_ =	swait.ge [sflag:s8], $0x4000  }
.Ltmp0:
0x11: {  	[sflag:s8] =	ssyncset.done $0x0;
	(pc) =	sbr.rel @!p0 .LBB2_2-.Ltmp0, $4  }
0x12: {  	s10 =	sadd.s32 $0x33200, s10;
	[sflag:s8] =	ssyncadd.s32 $0xFFFFC000  }
0x13: {  	[hbm4b:s10+s2] =	stream.linear.scatter [tilespmem:s7], [sflag:$0x2], $0x8000, $0x38;
	[tilespmem:$0x8100] =	vst v63  }
0x14: {  	_ =	swait.ge [sflag:s3], $0x8000  }
0x15: {  	s11 =	sadd.s32 $0xFFFFFFFF, s11;
	[sflag:s3] =	ssyncset.done $0x0  }
.LBB2_1:
0x16: {  	p0 =	sne.s32 s11, $0x1;
	s11 =	sadd.s32 $0xFFFFFFFF, s11;
	[sflag:s3] =	ssyncadd.s32 $0xFFFF8000  }
0x17: {  	[tilespmem:s2], [sflag:$0x2] =	stream.linear.gather [hbm4b:s4+s2], $0x100, $0x38;
	[tilespmem:$0x8100] =	vst v63  }
0x18: {  	_ =	swait.ge [sflag:s3], $0x100  }
0x19: {  	[sflag:s3] =	ssyncset.done $0x0  }
0x1a: {  	[sflag:s3] =	ssyncadd.s32 $0xFFFFFF00  }
0x1b: {  	[tilespmem:s7], [sflag:$0x1] =	stream.indirect.gather [hbm4b:s5+s6], $0x80, s2, s6, $0xb8;
	[tilespmem:$0x8100] =	vst v63  }
0x1c: {  	_ =	swait.ge [sflag:s8], $0x4000  }
0x1d: {  	[sflag:s8] =	ssyncset.done $0x0  }
0x1e: {  	[sflag:s8] =	ssyncadd.s32 $0xFFFFC000  }
0x1f: {  	[tilespmem:s9], [sflag:$0x1] =	stream.indirect.gather [hbm4b:s5+s6], $0x80, s6, s6, $0xb8;
	[tilespmem:$0x8100] =	vst v63  }
0x20: {  	_ =	swait.ge [sflag:s8], $0x4000  }
.Ltmp1:
0x21: {  	[sflag:s8] =	ssyncset.done $0x0;
	(pc) =	sbr.rel @p0 .LBB2_1-.Ltmp1, $4  }
0x22: {  	[sflag:s8] =	ssyncadd.s32 $0xFFFFC000  }
0x23: {  	[hbm4b:s10+s2] =	stream.linear.scatter [tilespmem:s7], [sflag:$0x2], $0x8000, $0x38;
	[tilespmem:$0x8100] =	vst v63  }
0x24: {  	_ =	swait.ge [sflag:s3], $0x8000  }
0x25: {  	[sflag:s3] =	ssyncset.done $0x0  }
.LBB2_2:
0x26: {  	[sflag:s3] =	ssyncadd.s32 $0xFFFF8000  }
0x27: {  	_ =	sfence.sel $0x180000  }
0x28: {  	[bflag:$0x0] =	sbarrier.arrive $0xFFFF  }
0x29: {  	p0 =	sne.s32 s0, $0x0;
	_ =	strace $0x9000004A  }
0x2a: {  	s0 =	sadd.s32 @!p0 $0x100000, s1;
	[bflag:$0x2] =	sbarrier.arrive $0xFFFF  }
0x2b: {  	[sflag:s0] =	ssyncadd.tile.s32 @!p0 $0x1;
	_ =	shalt  }
.Lfunc_end2:
_tile_overlayer_lowered:
.L_overlay_start_2:
0x2c: {  	(tag) =	ssettag $0x2  }
0x2d: {  	s0 =	rddreg [dreg:$0x0];
	s2 =	stileid.u32  }
0x2e: {  	s1 =	rddreg [dreg:$0x1];
	p0 =	sne.s32 s2, $0x0  }
0x2f: {  	s3 =	rddreg [dreg:$0x2];
	[bflag:$0x3] =	sbarrier.arrive $0xFFFF;
	s2 =	simm.s32 @!p0 $0x1C02  }
0x30: {  	[timem:s3], [sflag:s2] =	dma.local @!p0 [hbm:s0], s1  }
0x31: {  	s0 =	simm.s32 @!p0 $0x2  }
0x32: {  	_ =	swait.ge @!p0 [sflag:s0], s1  }
0x33: {  	s1 =	ssub.s32 @!p0 $0x0, s1;
	[sflag:s0] =	ssyncset.done @!p0 $0x0  }
0x34: {  	[sflag:s0] =	ssyncadd.s32 @!p0 s1  }
0x35: {  	[bflag:$0x3] =	sbarrier.arrive $0xFFFF  }
0x36: {  	_ =	shalt  }

</sc_bundles>
